<compile_context>
chip_gen: v7x
topology: tpu7x:2x2x1
jax: 0.10.2.dev20260603
libtpu: 0.0.44.dev20260713+nightly
codegen_flags: <defaults>
</compile_context>

<pallas_src>
import functools
import math

import jax
import jax.numpy as jnp
from jax import lax
from jax.experimental import pallas as pl
from jax.experimental.pallas import tpu as pltpu
from jax.experimental.pallas import tpu_sc as plsc

IN_DIM = 34
OUT_DIM = 256
SEQ = 2048
BATCH = 128
N_EMB = 1001
SB = SEQ * BATCH


def _make_sc_gather(sb, d):
    info = plsc.get_sparse_core_info()
    nc, ns = info.num_cores, info.num_subcores
    nw = nc * ns
    bpw = sb // nw
    ch = 128
    nch = bpw // ch
    mesh = plsc.VectorSubcoreMesh(core_axis_name="c", subcore_axis_name="s")

    nbuf = 4
    lag = 2
    ngrp = nch // nbuf

    @functools.partial(
        pl.kernel,
        mesh=mesh,
        out_type=jax.ShapeDtypeStruct((sb, d), jnp.int32),
        scratch_types=[
            pltpu.VMEM((bpw,), jnp.int32),
            pltpu.VMEM((nbuf, ch, d), jnp.int32),
            pltpu.VMEM_SHARED((N_EMB, d), jnp.int32),
            pltpu.SemaphoreType.DMA,
            pltpu.SemaphoreType.DMA((nbuf,)),
            pltpu.SemaphoreType.DMA((nbuf,)),
        ],
    )
    def gather_k(
        idx_hbm, table_hbm, out_hbm, idx_v, rows_v, table_sh, sem_i, sem_g, sem_w
    ):
        wid = lax.axis_index("s") * nc + lax.axis_index("c")
        base = wid * bpw

        idx_cp = pltpu.async_copy(idx_hbm.at[pl.ds(base, bpw)], idx_v, sem_i)

        @pl.when(lax.axis_index("s") == 0)
        def _():
            pltpu.sync_copy(table_hbm, table_sh)

        plsc.subcore_barrier()
        idx_cp.wait()

        def idx_slice(c):
            return table_sh.at[idx_v.at[pl.ds(c * ch, ch)]]

        def out_slice(c):
            return out_hbm.at[pl.ds(base + c * ch, ch)]

        def group(g, carry):
            for b in range(nbuf):
                i = g * nbuf + b
                bl = (b - lag) % nbuf
                @pl.when(i >= nbuf)
                def _():
                    pltpu.make_async_copy(
                        rows_v.at[b], out_slice(i - nbuf), sem_w.at[b]
                    ).wait()

                pltpu.async_copy(idx_slice(i), rows_v.at[b], sem_g.at[b])

                @pl.when(i >= lag)
                def _():
                    pltpu.make_async_copy(
                        idx_slice(i - lag), rows_v.at[bl], sem_g.at[bl]
                    ).wait()
                    pltpu.async_copy(rows_v.at[bl], out_slice(i - lag), sem_w.at[bl])

            return carry

        lax.fori_loop(0, ngrp, group, 0)

        for k in range(lag):
            c = nch - lag + k
            bc = c % nbuf
            pltpu.make_async_copy(idx_slice(c), rows_v.at[bc], sem_g.at[bc]).wait()
            pltpu.async_copy(rows_v.at[bc], out_slice(c), sem_w.at[bc])
        for b in range(nbuf):
            pltpu.make_async_copy(
                rows_v.at[b], out_slice(nch - nbuf + b), sem_w.at[b]
            ).wait()

    return gather_k


def _tc_body(x_ref, g_ref, w_ref, b_ref, o_ref):
    dense = (
        jnp.dot(x_ref[...], w_ref[...], preferred_element_type=jnp.float32)
        + b_ref[...]
    )
    gi = g_ref[...]
    hi = jax.lax.bitcast_convert_type(
        jnp.bitwise_and(gi, jnp.int32(-65536)), jnp.float32
    )
    lo = jax.lax.bitcast_convert_type(jnp.left_shift(gi, 16), jnp.float32)
    o_ref[...] = dense + jnp.concatenate([hi, lo], axis=1)


def kernel(x, emb_table, W_epoch, W_cfg, b_cfg):
    x_flat = x.reshape(SB, IN_DIM)
    ids = x_flat[:, 0].astype(jnp.int32)
    t16 = emb_table.astype(jnp.bfloat16)
    au = jax.lax.bitcast_convert_type(t16[:, : OUT_DIM // 2], jnp.uint16)
    bu = jax.lax.bitcast_convert_type(t16[:, OUT_DIM // 2 :], jnp.uint16)
    table_pk = jax.lax.bitcast_convert_type(
        (au.astype(jnp.uint32) << 16) | bu.astype(jnp.uint32), jnp.int32
    )

    inv_std = 1.0 / math.sqrt(1.0 / 12.0)
    w_epoch_row = (W_epoch[:, 0] * inv_std)[None, :]
    b_all = (b_cfg - 0.5 * inv_std * W_epoch[:, 0])[None, :]
    w34 = jnp.concatenate(
        [jnp.zeros((1, OUT_DIM), jnp.float32), w_epoch_row, W_cfg.T], axis=0
    )

    gathered = _make_sc_gather(SB, OUT_DIM // 2)(ids, table_pk)

    bt = 8192
    out = pl.pallas_call(
        _tc_body,
        grid=(SB // bt,),
        in_specs=[
            pl.BlockSpec((bt, IN_DIM), lambda i: (i, 0)),
            pl.BlockSpec((bt, OUT_DIM // 2), lambda i: (i, 0)),
            pl.BlockSpec((IN_DIM, OUT_DIM), lambda i: (0, 0)),
            pl.BlockSpec((1, OUT_DIM), lambda i: (0, 0)),
        ],
        out_specs=pl.BlockSpec((bt, OUT_DIM), lambda i: (i, 0)),
        out_shape=jax.ShapeDtypeStruct((SB, OUT_DIM), jnp.float32),
    )(x_flat, gathered, w34, b_all)

    return out.reshape(SEQ, BATCH, OUT_DIM)

# --- scband reference (transcript-rebuilt; emitter-appended) ---
"""Pipeline reference for scband-multi-curves-encoder-6708738916682 (READ-ONLY COPY).

The authoritative reference and input builder live on the scoring server;
editing this copy changes nothing except your own understanding.
"""

import jax, jax.numpy as jnp
import numpy as np
import math

IN_DIM = 34
OUT_DIM = 256
SEQ = 2048
BATCH = 128
N_EMB = 1001


def setup_inputs(seed: int = 0) -> dict:
    key = jax.random.key(seed)
    k_id, k_ep, k_cfg, k_emb, k_we, k_wc, k_bc = jax.random.split(key, 7)
    # column 0: integer curve ids stored as float (forward casts with .int())
    ids = jax.random.randint(k_id, (SEQ, BATCH, 1), 0, N_EMB).astype(jnp.float32)
    # column 1: epoch fraction in [0, 1)
    epoch = jax.random.uniform(k_ep, (SEQ, BATCH, 1), dtype=jnp.float32)
    # columns 2:: configuration features in [0, 1)
    cfg = jax.random.uniform(k_cfg, (SEQ, BATCH, IN_DIM - 2), dtype=jnp.float32)
    x = jnp.concatenate([ids, epoch, cfg], axis=-1)
    # learned parameters
    emb_table = jax.random.normal(k_emb, (N_EMB, OUT_DIM), dtype=jnp.float32) * 0.02
    W_epoch = jax.random.normal(k_we, (OUT_DIM, 1), dtype=jnp.float32) * 0.02  # Linear(1, out_dim, bias=False)
    W_cfg = jax.random.normal(k_wc, (OUT_DIM, IN_DIM - 2), dtype=jnp.float32) * 0.02
    b_cfg = jax.random.normal(k_bc, (OUT_DIM,), dtype=jnp.float32) * 0.02
    return {"x": x, "emb_table": emb_table, "W_epoch": W_epoch, "W_cfg": W_cfg, "b_cfg": b_cfg}


def reference(x, emb_table, W_epoch, W_cfg, b_cfg):
    # idcurve_enc: Embedding(1001, out_dim) on x[..., :1].int(), then squeeze(2)
    ids = x[..., 0].astype(jnp.int32)  # [S, B]
    out = jnp.take(emb_table, ids, axis=0)  # [S, B, OUT_DIM]
    # epoch_enc: Linear(1, out_dim, bias=False) on Normalize(0.5, sqrt(1/12))(x[..., 1:2])
    mean = 0.5
    std = math.sqrt(1.0 / 12.0)
    epoch = (x[..., 1:2] - mean) / std  # [S, B, 1]
    out = out + jnp.einsum('sbi,oi->sbo', epoch, W_epoch)
    # configuration_enc: VariableNumFeaturesEncoder(Linear(in_dim-2, out_dim))
    cfg = x[..., 2:]  # [S, B, in_dim-2]
    num_features = IN_DIM - 2
    cfg = cfg * (num_features / cfg.shape[-1])  # scale = 1.0 when fully populated
    out = out + jnp.einsum('sbi,oi->sbo', cfg, W_cfg) + b_cfg
    return out

if __name__ == "__main__":
    import jax
    _d = setup_inputs()
    print(jax.jit(kernel)(*tuple(_d.values())))

</pallas_src>

<mosaic_0001>
#map = affine_map<(d0, d1) -> (0)>
#map1 = affine_map<(d0, d1) -> (0, 0)>
module attributes {stable_mosaic.version = 14 : i64} {
  func.func @gather_k(%arg0: i32, %arg1: i32, %arg2: memref<262144xi32, #tpu.memory_space<hbm>>, %arg3: memref<1001x128xi32, #tpu.memory_space<hbm>>, %arg4: memref<262144x128xi32, #tpu.memory_space<hbm>>, %arg5: memref<8192xi32, #tpu.memory_space<vmem>>, %arg6: memref<4x128x128xi32, #tpu.memory_space<vmem>>, %arg7: memref<1001x128xi32, #tpu.memory_space<vmem_shared>>, %arg8: memref<!tpu.dma_semaphore, #tpu.memory_space<semaphore_mem>>, %arg9: memref<4x!tpu.dma_semaphore, #tpu.memory_space<semaphore_mem>>, %arg10: memref<4x!tpu.dma_semaphore, #tpu.memory_space<semaphore_mem>>) attributes {dimension_semantics = [#tpu.dimension_semantics<core_parallel>, #tpu.dimension_semantics<subcore_parallel>], iteration_bounds = array<i64: 2, 16>, scalar_prefetch = 0 : i64, scratch_operands = 6 : i64, tpu.core_type = #tpu.core_type<sc_vector_subcore>, window_params = [{transform_indices = #map}, {transform_indices = #map1}, {transform_indices = #map1}]} {
    %mul3A = arith.constant 2 : i32
    %mul3A_0 = arith.muli %arg1, %mul3A : i32
    %add3A = arith.addi %mul3A_0, %arg0 : i32
    %mul3A_1 = arith.constant 8192 : i32
    %mul3A_2 = arith.muli %add3A, %mul3A_1 : i32
    %dma_start3A = tpu.memref_slice %arg2[%mul3A_2] : memref<262144xi32, #tpu.memory_space<hbm>> -> memref<8192xi32, #tpu.memory_space<hbm>>
    %dma_start3A_3 = tpu.memref_slice %arg2[%mul3A_2] : memref<262144xi32, #tpu.memory_space<hbm>> -> memref<8192xi32, #tpu.memory_space<hbm>>
    tpu.enqueue_dma source(%dma_start3A_3 : memref<8192xi32, #tpu.memory_space<hbm>>) target(%arg5 : memref<8192xi32, #tpu.memory_space<vmem>>) target_semaphore(%arg8 : memref<!tpu.dma_semaphore, #tpu.memory_space<semaphore_mem>>)
    %eq3A = arith.constant 0 : i32
    %eq3A_4 = arith.cmpi eq, %arg1, %eq3A : i32
    %convert_element_type3A = arith.extui %eq3A_4 : i1 to i32
    %cond3A = arith.constant 0 : i32
    %cond3A_5 = arith.cmpi ne, %convert_element_type3A, %cond3A : i32
    scf.if %cond3A_5 {
      "tpu.region"() ({
        %run_scoped3A = tpu.sem_alloc : memref<!tpu.dma_semaphore, #tpu.memory_space<semaphore_mem>>
        tpu.enqueue_dma source(%arg3 : memref<1001x128xi32, #tpu.memory_space<hbm>>) target(%arg7 : memref<1001x128xi32, #tpu.memory_space<vmem_shared>>) target_semaphore(%run_scoped3A : memref<!tpu.dma_semaphore, #tpu.memory_space<semaphore_mem>>)
        tpu.wait_dma2 semaphore(%run_scoped3A : memref<!tpu.dma_semaphore, #tpu.memory_space<semaphore_mem>>) src(%arg3 : memref<1001x128xi32, #tpu.memory_space<hbm>>) dst(%arg7 : memref<1001x128xi32, #tpu.memory_space<vmem_shared>>)
        tpu.yield
      }) : () -> ()
    } else {
    }
    %barrier3A = arith.constant 0 : index
    tpu.barrier barrier_id(%barrier3A)
    %dma_wait3A = tpu.memref_slice %arg2[%mul3A_2] : memref<262144xi32, #tpu.memory_space<hbm>> -> memref<8192xi32, #tpu.memory_space<hbm>>
    %dma_wait3A_6 = tpu.memref_slice %arg2[%mul3A_2] : memref<262144xi32, #tpu.memory_space<hbm>> -> memref<8192xi32, #tpu.memory_space<hbm>>
    tpu.wait_dma2 semaphore(%arg8 : memref<!tpu.dma_semaphore, #tpu.memory_space<semaphore_mem>>) src(%dma_wait3A_6 : memref<8192xi32, #tpu.memory_space<hbm>>) dst(%arg5 : memref<8192xi32, #tpu.memory_space<vmem>>)
    %scan3A = arith.constant 0 : i32
    %scan3A_7 = arith.constant 0 : i32
    %scan3A_8 = arith.constant 16 : i32
    %scan3A_9 = arith.addi %scan3A_7, %scan3A_8 : i32
    %scan3A_10 = arith.constant 1 : i32
    scf.for %scan3A_146 = %scan3A_7 to %scan3A_9 step %scan3A_10  : i32 {
      %mul3A_147 = arith.constant 4 : i32
      %mul3A_148 = arith.muli %scan3A_146, %mul3A_147 : i32
      %add3A_149 = arith.constant 0 : i32
      %add3A_150 = arith.addi %mul3A_148, %add3A_149 : i32
      %ge3A = arith.constant 4 : i32
      %ge3A_151 = arith.cmpi sge, %add3A_150, %ge3A : i32
      %convert_element_type3A_152 = arith.extui %ge3A_151 : i1 to i32
      %cond3A_153 = arith.constant 0 : i32
      %cond3A_154 = arith.cmpi ne, %convert_element_type3A_152, %cond3A_153 : i32
      scf.if %cond3A_154 {
        %sub3A = arith.constant 4 : i32
        %sub3A_258 = arith.subi %add3A_150, %sub3A : i32
        %mul3A_259 = arith.constant 128 : i32
        %mul3A_260 = arith.muli %sub3A_258, %mul3A_259 : i32
        %add3A_261 = arith.addi %mul3A_2, %mul3A_260 : i32
        %dma_wait3A_262 = arith.constant 0 : i32
        %dma_wait3A_263 = arith.constant 0 : i32
        %dma_wait3A_264 = arith.constant 0 : i32
        %dma_wait3A_265 = arith.constant 0 : i32
        %dma_wait3A_266 = tpu.memref_slice %arg6[%dma_wait3A_262, %dma_wait3A_264, %dma_wait3A_265] : memref<4x128x128xi32, #tpu.memory_space<vmem>> -> memref<1x128x128xi32, #tpu.memory_space<vmem>>
        %dma_wait3A_267 = tpu.memref_squeeze %dma_wait3A_266 : memref<1x128x128xi32, #tpu.memory_space<vmem>> -> memref<128x128xi32, #tpu.memory_space<vmem>>
        %dma_wait3A_268 = arith.constant 0 : i32
        %dma_wait3A_269 = tpu.memref_slice %arg4[%add3A_261, %dma_wait3A_268] : memref<262144x128xi32, #tpu.memory_space<hbm>> -> memref<128x128xi32, #tpu.memory_space<hbm>>
        %dma_wait3A_270 = tpu.memref_slice %arg10[%dma_wait3A_263] : memref<4x!tpu.dma_semaphore, #tpu.memory_space<semaphore_mem>> -> memref<1x!tpu.dma_semaphore, #tpu.memory_space<semaphore_mem>>
        %dma_wait3A_271 = tpu.memref_squeeze %dma_wait3A_270 : memref<1x!tpu.dma_semaphore, #tpu.memory_space<semaphore_mem>> -> memref<!tpu.dma_semaphore, #tpu.memory_space<semaphore_mem>>
        %dma_wait3A_272 = arith.constant 0 : i32
        %dma_wait3A_273 = tpu.memref_slice %arg4[%add3A_261, %dma_wait3A_272] : memref<262144x128xi32, #tpu.memory_space<hbm>> -> memref<128x128xi32, #tpu.memory_space<hbm>>
        %dma_wait3A_274 = arith.constant 0 : i32
        %dma_wait3A_275 = arith.constant 0 : i32
        %dma_wait3A_276 = tpu.memref_slice %arg6[%dma_wait3A_262, %dma_wait3A_274, %dma_wait3A_275] : memref<4x128x128xi32, #tpu.memory_space<vmem>> -> memref<1x128x128xi32, #tpu.memory_space<vmem>>
        %dma_wait3A_277 = tpu.memref_squeeze %dma_wait3A_276 : memref<1x128x128xi32, #tpu.memory_space<vmem>> -> memref<128x128xi32, #tpu.memory_space<vmem>>
        tpu.wait_dma2 semaphore(%dma_wait3A_271 : memref<!tpu.dma_semaphore, #tpu.memory_space<semaphore_mem>>) src(%dma_wait3A_277 : memref<128x128xi32, #tpu.memory_space<vmem>>) dst(%dma_wait3A_273 : memref<128x128xi32, #tpu.memory_space<hbm>>)
      } else {
      }
      %mul3A_155 = arith.constant 128 : i32
      %mul3A_156 = arith.muli %add3A_150, %mul3A_155 : i32
      %dma_start3A_157 = arith.constant 0 : i32
      %dma_start3A_158 = arith.constant 0 : i32
      %dma_start3A_159 = arith.constant 0 : i32
      %dma_start3A_160 = arith.constant 0 : i32
      %dma_start3A_161 = tpu.memref_slice %arg6[%dma_start3A_157, %dma_start3A_159, %dma_start3A_160] : memref<4x128x128xi32, #tpu.memory_space<vmem>> -> memref<1x128x128xi32, #tpu.memory_space<vmem>>
      %dma_start3A_162 = tpu.memref_squeeze %dma_start3A_161 : memref<1x128x128xi32, #tpu.memory_space<vmem>> -> memref<128x128xi32, #tpu.memory_space<vmem>>
      %dma_start3A_163 = tpu.memref_slice %arg5[%mul3A_156] : memref<8192xi32, #tpu.memory_space<vmem>> -> memref<128xi32, #tpu.memory_space<vmem>>
      %dma_start3A_164 = arith.constant 0 : i32
      %dma_start3A_165 = arith.constant 0 : i32
      %dma_start3A_166 = tpu.memref_slice %arg7[%dma_start3A_164, %dma_start3A_165] : memref<1001x128xi32, #tpu.memory_space<vmem_shared>> -> memref<1001x128xi32, #tpu.memory_space<vmem_shared>>
      %dma_start3A_167 = tpu.memref_slice %arg9[%dma_start3A_158] : memref<4x!tpu.dma_semaphore, #tpu.memory_space<semaphore_mem>> -> memref<1x!tpu.dma_semaphore, #tpu.memory_space<semaphore_mem>>
      %dma_start3A_168 = tpu.memref_squeeze %dma_start3A_167 : memref<1x!tpu.dma_semaphore, #tpu.memory_space<semaphore_mem>> -> memref<!tpu.dma_semaphore, #tpu.memory_space<semaphore_mem>>
      tpu.enqueue_indirect_dma source(%dma_start3A_166 : memref<1001x128xi32, #tpu.memory_space<vmem_shared>>) target(%dma_start3A_162 : memref<128x128xi32, #tpu.memory_space<vmem>>) offsets(%dma_start3A_163 : memref<128xi32, #tpu.memory_space<vmem>>) semaphore(%dma_start3A_168 : memref<!tpu.dma_semaphore, #tpu.memory_space<semaphore_mem>>)
      %ge3A_169 = arith.constant 2 : i32
      %ge3A_170 = arith.cmpi sge, %add3A_150, %ge3A_169 : i32
      %convert_element_type3A_171 = arith.extui %ge3A_170 : i1 to i32
      %cond3A_172 = arith.constant 0 : i32
      %cond3A_173 = arith.cmpi ne, %convert_element_type3A_171, %cond3A_172 : i32
      scf.if %cond3A_173 {
        %sub3A = arith.constant 2 : i32
        %sub3A_258 = arith.subi %add3A_150, %sub3A : i32
        %mul3A_259 = arith.constant 128 : i32
        %mul3A_260 = arith.muli %sub3A_258, %mul3A_259 : i32
        %dma_wait3A_261 = arith.constant 2 : i32
        %dma_wait3A_262 = arith.constant 2 : i32
        %dma_wait3A_263 = arith.constant 0 : i32
        %dma_wait3A_264 = arith.constant 0 : i32
        %dma_wait3A_265 = tpu.memref_slice %arg6[%dma_wait3A_261, %dma_wait3A_263, %dma_wait3A_264] : memref<4x128x128xi32, #tpu.memory_space<vmem>> -> memref<1x128x128xi32, #tpu.memory_space<vmem>>
        %dma_wait3A_266 = tpu.memref_squeeze %dma_wait3A_265 : memref<1x128x128xi32, #tpu.memory_space<vmem>> -> memref<128x128xi32, #tpu.memory_space<vmem>>
        %dma_wait3A_267 = tpu.memref_slice %arg5[%mul3A_260] : memref<8192xi32, #tpu.memory_space<vmem>> -> memref<128xi32, #tpu.memory_space<vmem>>
        %dma_wait3A_268 = arith.constant 0 : i32
        %dma_wait3A_269 = arith.constant 0 : i32
        %dma_wait3A_270 = tpu.memref_slice %arg7[%dma_wait3A_268, %dma_wait3A_269] : memref<1001x128xi32, #tpu.memory_space<vmem_shared>> -> memref<1001x128xi32, #tpu.memory_space<vmem_shared>>
        %dma_wait3A_271 = tpu.memref_slice %arg9[%dma_wait3A_262] : memref<4x!tpu.dma_semaphore, #tpu.memory_space<semaphore_mem>> -> memref<1x!tpu.dma_semaphore, #tpu.memory_space<semaphore_mem>>
        %dma_wait3A_272 = tpu.memref_squeeze %dma_wait3A_271 : memref<1x!tpu.dma_semaphore, #tpu.memory_space<semaphore_mem>> -> memref<!tpu.dma_semaphore, #tpu.memory_space<semaphore_mem>>
        tpu.wait_indirect_dma semaphore(%dma_wait3A_272 : memref<!tpu.dma_semaphore, #tpu.memory_space<semaphore_mem>>) src(%dma_wait3A_270 : memref<1001x128xi32, #tpu.memory_space<vmem_shared>>) dst(%dma_wait3A_266 : memref<128x128xi32, #tpu.memory_space<vmem>>)
        %sub3A_273 = arith.constant 2 : i32
        %sub3A_274 = arith.subi %add3A_150, %sub3A_273 : i32
        %mul3A_275 = arith.constant 128 : i32
        %mul3A_276 = arith.muli %sub3A_274, %mul3A_275 : i32
        %add3A_277 = arith.addi %mul3A_2, %mul3A_276 : i32
        %dma_start3A_278 = arith.constant 2 : i32
        %dma_start3A_279 = arith.constant 2 : i32
        %dma_start3A_280 = arith.constant 0 : i32
        %dma_start3A_281 = arith.constant 0 : i32
        %dma_start3A_282 = tpu.memref_slice %arg6[%dma_start3A_278, %dma_start3A_280, %dma_start3A_281] : memref<4x128x128xi32, #tpu.memory_space<vmem>> -> memref<1x128x128xi32, #tpu.memory_space<vmem>>
        %dma_start3A_283 = tpu.memref_squeeze %dma_start3A_282 : memref<1x128x128xi32, #tpu.memory_space<vmem>> -> memref<128x128xi32, #tpu.memory_space<vmem>>
        %dma_start3A_284 = arith.constant 0 : i32
        %dma_start3A_285 = tpu.memref_slice %arg4[%add3A_277, %dma_start3A_284] : memref<262144x128xi32, #tpu.memory_space<hbm>> -> memref<128x128xi32, #tpu.memory_space<hbm>>
        %dma_start3A_286 = tpu.memref_slice %arg10[%dma_start3A_279] : memref<4x!tpu.dma_semaphore, #tpu.memory_space<semaphore_mem>> -> memref<1x!tpu.dma_semaphore, #tpu.memory_space<semaphore_mem>>
        %dma_start3A_287 = tpu.memref_squeeze %dma_start3A_286 : memref<1x!tpu.dma_semaphore, #tpu.memory_space<semaphore_mem>> -> memref<!tpu.dma_semaphore, #tpu.memory_space<semaphore_mem>>
        %dma_start3A_288 = arith.constant 0 : i32
        %dma_start3A_289 = tpu.memref_slice %arg4[%add3A_277, %dma_start3A_288] : memref<262144x128xi32, #tpu.memory_space<hbm>> -> memref<128x128xi32, #tpu.memory_space<hbm>>
        %dma_start3A_290 = arith.constant 0 : i32
        %dma_start3A_291 = arith.constant 0 : i32
        %dma_start3A_292 = tpu.memref_slice %arg6[%dma_start3A_278, %dma_start3A_290, %dma_start3A_291] : memref<4x128x128xi32, #tpu.memory_space<vmem>> -> memref<1x128x128xi32, #tpu.memory_space<vmem>>
        %dma_start3A_293 = tpu.memref_squeeze %dma_start3A_292 : memref<1x128x128xi32, #tpu.memory_space<vmem>> -> memref<128x128xi32, #tpu.memory_space<vmem>>
        tpu.enqueue_dma source(%dma_start3A_293 : memref<128x128xi32, #tpu.memory_space<vmem>>) target(%dma_start3A_289 : memref<128x128xi32, #tpu.memory_space<hbm>>) target_semaphore(%dma_start3A_287 : memref<!tpu.dma_semaphore, #tpu.memory_space<semaphore_mem>>)
      } else {
      }
      %mul3A_174 = arith.constant 4 : i32
      %mul3A_175 = arith.muli %scan3A_146, %mul3A_174 : i32
      %add3A_176 = arith.constant 1 : i32
      %add3A_177 = arith.addi %mul3A_175, %add3A_176 : i32
      %ge3A_178 = arith.constant 4 : i32
      %ge3A_179 = arith.cmpi sge, %add3A_177, %ge3A_178 : i32
      %convert_element_type3A_180 = arith.extui %ge3A_179 : i1 to i32
      %cond3A_181 = arith.constant 0 : i32
      %cond3A_182 = arith.cmpi ne, %convert_element_type3A_180, %cond3A_181 : i32
      scf.if %cond3A_182 {
        %sub3A = arith.constant 4 : i32
        %sub3A_258 = arith.subi %add3A_177, %sub3A : i32
        %mul3A_259 = arith.constant 128 : i32
        %mul3A_260 = arith.muli %sub3A_258, %mul3A_259 : i32
        %add3A_261 = arith.addi %mul3A_2, %mul3A_260 : i32
        %dma_wait3A_262 = arith.constant 1 : i32
        %dma_wait3A_263 = arith.constant 1 : i32
        %dma_wait3A_264 = arith.constant 0 : i32
        %dma_wait3A_265 = arith.constant 0 : i32
        %dma_wait3A_266 = tpu.memref_slice %arg6[%dma_wait3A_262, %dma_wait3A_264, %dma_wait3A_265] : memref<4x128x128xi32, #tpu.memory_space<vmem>> -> memref<1x128x128xi32, #tpu.memory_space<vmem>>
        %dma_wait3A_267 = tpu.memref_squeeze %dma_wait3A_266 : memref<1x128x128xi32, #tpu.memory_space<vmem>> -> memref<128x128xi32, #tpu.memory_space<vmem>>
        %dma_wait3A_268 = arith.constant 0 : i32
        %dma_wait3A_269 = tpu.memref_slice %arg4[%add3A_261, %dma_wait3A_268] : memref<262144x128xi32, #tpu.memory_space<hbm>> -> memref<128x128xi32, #tpu.memory_space<hbm>>
        %dma_wait3A_270 = tpu.memref_slice %arg10[%dma_wait3A_263] : memref<4x!tpu.dma_semaphore, #tpu.memory_space<semaphore_mem>> -> memref<1x!tpu.dma_semaphore, #tpu.memory_space<semaphore_mem>>
        %dma_wait3A_271 = tpu.memref_squeeze %dma_wait3A_270 : memref<1x!tpu.dma_semaphore, #tpu.memory_space<semaphore_mem>> -> memref<!tpu.dma_semaphore, #tpu.memory_space<semaphore_mem>>
        %dma_wait3A_272 = arith.constant 0 : i32
        %dma_wait3A_273 = tpu.memref_slice %arg4[%add3A_261, %dma_wait3A_272] : memref<262144x128xi32, #tpu.memory_space<hbm>> -> memref<128x128xi32, #tpu.memory_space<hbm>>
        %dma_wait3A_274 = arith.constant 0 : i32
        %dma_wait3A_275 = arith.constant 0 : i32
        %dma_wait3A_276 = tpu.memref_slice %arg6[%dma_wait3A_262, %dma_wait3A_274, %dma_wait3A_275] : memref<4x128x128xi32, #tpu.memory_space<vmem>> -> memref<1x128x128xi32, #tpu.memory_space<vmem>>
        %dma_wait3A_277 = tpu.memref_squeeze %dma_wait3A_276 : memref<1x128x128xi32, #tpu.memory_space<vmem>> -> memref<128x128xi32, #tpu.memory_space<vmem>>
        tpu.wait_dma2 semaphore(%dma_wait3A_271 : memref<!tpu.dma_semaphore, #tpu.memory_space<semaphore_mem>>) src(%dma_wait3A_277 : memref<128x128xi32, #tpu.memory_space<vmem>>) dst(%dma_wait3A_273 : memref<128x128xi32, #tpu.memory_space<hbm>>)
      } else {
      }
      %mul3A_183 = arith.constant 128 : i32
      %mul3A_184 = arith.muli %add3A_177, %mul3A_183 : i32
      %dma_start3A_185 = arith.constant 1 : i32
      %dma_start3A_186 = arith.constant 1 : i32
      %dma_start3A_187 = arith.constant 0 : i32
      %dma_start3A_188 = arith.constant 0 : i32
      %dma_start3A_189 = tpu.memref_slice %arg6[%dma_start3A_185, %dma_start3A_187, %dma_start3A_188] : memref<4x128x128xi32, #tpu.memory_space<vmem>> -> memref<1x128x128xi32, #tpu.memory_space<vmem>>
      %dma_start3A_190 = tpu.memref_squeeze %dma_start3A_189 : memref<1x128x128xi32, #tpu.memory_space<vmem>> -> memref<128x128xi32, #tpu.memory_space<vmem>>
      %dma_start3A_191 = tpu.memref_slice %arg5[%mul3A_184] : memref<8192xi32, #tpu.memory_space<vmem>> -> memref<128xi32, #tpu.memory_space<vmem>>
      %dma_start3A_192 = arith.constant 0 : i32
      %dma_start3A_193 = arith.constant 0 : i32
      %dma_start3A_194 = tpu.memref_slice %arg7[%dma_start3A_192, %dma_start3A_193] : memref<1001x128xi32, #tpu.memory_space<vmem_shared>> -> memref<1001x128xi32, #tpu.memory_space<vmem_shared>>
      %dma_start3A_195 = tpu.memref_slice %arg9[%dma_start3A_186] : memref<4x!tpu.dma_semaphore, #tpu.memory_space<semaphore_mem>> -> memref<1x!tpu.dma_semaphore, #tpu.memory_space<semaphore_mem>>
      %dma_start3A_196 = tpu.memref_squeeze %dma_start3A_195 : memref<1x!tpu.dma_semaphore, #tpu.memory_space<semaphore_mem>> -> memref<!tpu.dma_semaphore, #tpu.memory_space<semaphore_mem>>
      tpu.enqueue_indirect_dma source(%dma_start3A_194 : memref<1001x128xi32, #tpu.memory_space<vmem_shared>>) target(%dma_start3A_190 : memref<128x128xi32, #tpu.memory_space<vmem>>) offsets(%dma_start3A_191 : memref<128xi32, #tpu.memory_space<vmem>>) semaphore(%dma_start3A_196 : memref<!tpu.dma_semaphore, #tpu.memory_space<semaphore_mem>>)
      %ge3A_197 = arith.constant 2 : i32
      %ge3A_198 = arith.cmpi sge, %add3A_177, %ge3A_197 : i32
      %convert_element_type3A_199 = arith.extui %ge3A_198 : i1 to i32
      %cond3A_200 = arith.constant 0 : i32
      %cond3A_201 = arith.cmpi ne, %convert_element_type3A_199, %cond3A_200 : i32
      scf.if %cond3A_201 {
        %sub3A = arith.constant 2 : i32
        %sub3A_258 = arith.subi %add3A_177, %sub3A : i32
        %mul3A_259 = arith.constant 128 : i32
        %mul3A_260 = arith.muli %sub3A_258, %mul3A_259 : i32
        %dma_wait3A_261 = arith.constant 3 : i32
        %dma_wait3A_262 = arith.constant 3 : i32
        %dma_wait3A_263 = arith.constant 0 : i32
        %dma_wait3A_264 = arith.constant 0 : i32
        %dma_wait3A_265 = tpu.memref_slice %arg6[%dma_wait3A_261, %dma_wait3A_263, %dma_wait3A_264] : memref<4x128x128xi32, #tpu.memory_space<vmem>> -> memref<1x128x128xi32, #tpu.memory_space<vmem>>
        %dma_wait3A_266 = tpu.memref_squeeze %dma_wait3A_265 : memref<1x128x128xi32, #tpu.memory_space<vmem>> -> memref<128x128xi32, #tpu.memory_space<vmem>>
        %dma_wait3A_267 = tpu.memref_slice %arg5[%mul3A_260] : memref<8192xi32, #tpu.memory_space<vmem>> -> memref<128xi32, #tpu.memory_space<vmem>>
        %dma_wait3A_268 = arith.constant 0 : i32
        %dma_wait3A_269 = arith.constant 0 : i32
        %dma_wait3A_270 = tpu.memref_slice %arg7[%dma_wait3A_268, %dma_wait3A_269] : memref<1001x128xi32, #tpu.memory_space<vmem_shared>> -> memref<1001x128xi32, #tpu.memory_space<vmem_shared>>
        %dma_wait3A_271 = tpu.memref_slice %arg9[%dma_wait3A_262] : memref<4x!tpu.dma_semaphore, #tpu.memory_space<semaphore_mem>> -> memref<1x!tpu.dma_semaphore, #tpu.memory_space<semaphore_mem>>
        %dma_wait3A_272 = tpu.memref_squeeze %dma_wait3A_271 : memref<1x!tpu.dma_semaphore, #tpu.memory_space<semaphore_mem>> -> memref<!tpu.dma_semaphore, #tpu.memory_space<semaphore_mem>>
        tpu.wait_indirect_dma semaphore(%dma_wait3A_272 : memref<!tpu.dma_semaphore, #tpu.memory_space<semaphore_mem>>) src(%dma_wait3A_270 : memref<1001x128xi32, #tpu.memory_space<vmem_shared>>) dst(%dma_wait3A_266 : memref<128x128xi32, #tpu.memory_space<vmem>>)
        %sub3A_273 = arith.constant 2 : i32
        %sub3A_274 = arith.subi %add3A_177, %sub3A_273 : i32
        %mul3A_275 = arith.constant 128 : i32
        %mul3A_276 = arith.muli %sub3A_274, %mul3A_275 : i32
        %add3A_277 = arith.addi %mul3A_2, %mul3A_276 : i32
        %dma_start3A_278 = arith.constant 3 : i32
        %dma_start3A_279 = arith.constant 3 : i32
        %dma_start3A_280 = arith.constant 0 : i32
        %dma_start3A_281 = arith.constant 0 : i32
        %dma_start3A_282 = tpu.memref_slice %arg6[%dma_start3A_278, %dma_start3A_280, %dma_start3A_281] : memref<4x128x128xi32, #tpu.memory_space<vmem>> -> memref<1x128x128xi32, #tpu.memory_space<vmem>>
        %dma_start3A_283 = tpu.memref_squeeze %dma_start3A_282 : memref<1x128x128xi32, #tpu.memory_space<vmem>> -> memref<128x128xi32, #tpu.memory_space<vmem>>
        %dma_start3A_284 = arith.constant 0 : i32
        %dma_start3A_285 = tpu.memref_slice %arg4[%add3A_277, %dma_start3A_284] : memref<262144x128xi32, #tpu.memory_space<hbm>> -> memref<128x128xi32, #tpu.memory_space<hbm>>
        %dma_start3A_286 = tpu.memref_slice %arg10[%dma_start3A_279] : memref<4x!tpu.dma_semaphore, #tpu.memory_space<semaphore_mem>> -> memref<1x!tpu.dma_semaphore, #tpu.memory_space<semaphore_mem>>
        %dma_start3A_287 = tpu.memref_squeeze %dma_start3A_286 : memref<1x!tpu.dma_semaphore, #tpu.memory_space<semaphore_mem>> -> memref<!tpu.dma_semaphore, #tpu.memory_space<semaphore_mem>>
        %dma_start3A_288 = arith.constant 0 : i32
        %dma_start3A_289 = tpu.memref_slice %arg4[%add3A_277, %dma_start3A_288] : memref<262144x128xi32, #tpu.memory_space<hbm>> -> memref<128x128xi32, #tpu.memory_space<hbm>>
        %dma_start3A_290 = arith.constant 0 : i32
        %dma_start3A_291 = arith.constant 0 : i32
        %dma_start3A_292 = tpu.memref_slice %arg6[%dma_start3A_278, %dma_start3A_290, %dma_start3A_291] : memref<4x128x128xi32, #tpu.memory_space<vmem>> -> memref<1x128x128xi32, #tpu.memory_space<vmem>>
        %dma_start3A_293 = tpu.memref_squeeze %dma_start3A_292 : memref<1x128x128xi32, #tpu.memory_space<vmem>> -> memref<128x128xi32, #tpu.memory_space<vmem>>
        tpu.enqueue_dma source(%dma_start3A_293 : memref<128x128xi32, #tpu.memory_space<vmem>>) target(%dma_start3A_289 : memref<128x128xi32, #tpu.memory_space<hbm>>) target_semaphore(%dma_start3A_287 : memref<!tpu.dma_semaphore, #tpu.memory_space<semaphore_mem>>)
      } else {
      }
      %mul3A_202 = arith.constant 4 : i32
      %mul3A_203 = arith.muli %scan3A_146, %mul3A_202 : i32
      %add3A_204 = arith.constant 2 : i32
      %add3A_205 = arith.addi %mul3A_203, %add3A_204 : i32
      %ge3A_206 = arith.constant 4 : i32
      %ge3A_207 = arith.cmpi sge, %add3A_205, %ge3A_206 : i32
      %convert_element_type3A_208 = arith.extui %ge3A_207 : i1 to i32
      %cond3A_209 = arith.constant 0 : i32
      %cond3A_210 = arith.cmpi ne, %convert_element_type3A_208, %cond3A_209 : i32
      scf.if %cond3A_210 {
        %sub3A = arith.constant 4 : i32
        %sub3A_258 = arith.subi %add3A_205, %sub3A : i32
        %mul3A_259 = arith.constant 128 : i32
        %mul3A_260 = arith.muli %sub3A_258, %mul3A_259 : i32
        %add3A_261 = arith.addi %mul3A_2, %mul3A_260 : i32
        %dma_wait3A_262 = arith.constant 2 : i32
        %dma_wait3A_263 = arith.constant 2 : i32
        %dma_wait3A_264 = arith.constant 0 : i32
        %dma_wait3A_265 = arith.constant 0 : i32
        %dma_wait3A_266 = tpu.memref_slice %arg6[%dma_wait3A_262, %dma_wait3A_264, %dma_wait3A_265] : memref<4x128x128xi32, #tpu.memory_space<vmem>> -> memref<1x128x128xi32, #tpu.memory_space<vmem>>
        %dma_wait3A_267 = tpu.memref_squeeze %dma_wait3A_266 : memref<1x128x128xi32, #tpu.memory_space<vmem>> -> memref<128x128xi32, #tpu.memory_space<vmem>>
        %dma_wait3A_268 = arith.constant 0 : i32
        %dma_wait3A_269 = tpu.memref_slice %arg4[%add3A_261, %dma_wait3A_268] : memref<262144x128xi32, #tpu.memory_space<hbm>> -> memref<128x128xi32, #tpu.memory_space<hbm>>
        %dma_wait3A_270 = tpu.memref_slice %arg10[%dma_wait3A_263] : memref<4x!tpu.dma_semaphore, #tpu.memory_space<semaphore_mem>> -> memref<1x!tpu.dma_semaphore, #tpu.memory_space<semaphore_mem>>
        %dma_wait3A_271 = tpu.memref_squeeze %dma_wait3A_270 : memref<1x!tpu.dma_semaphore, #tpu.memory_space<semaphore_mem>> -> memref<!tpu.dma_semaphore, #tpu.memory_space<semaphore_mem>>
        %dma_wait3A_272 = arith.constant 0 : i32
        %dma_wait3A_273 = tpu.memref_slice %arg4[%add3A_261, %dma_wait3A_272] : memref<262144x128xi32, #tpu.memory_space<hbm>> -> memref<128x128xi32, #tpu.memory_space<hbm>>
        %dma_wait3A_274 = arith.constant 0 : i32
        %dma_wait3A_275 = arith.constant 0 : i32
        %dma_wait3A_276 = tpu.memref_slice %arg6[%dma_wait3A_262, %dma_wait3A_274, %dma_wait3A_275] : memref<4x128x128xi32, #tpu.memory_space<vmem>> -> memref<1x128x128xi32, #tpu.memory_space<vmem>>
        %dma_wait3A_277 = tpu.memref_squeeze %dma_wait3A_276 : memref<1x128x128xi32, #tpu.memory_space<vmem>> -> memref<128x128xi32, #tpu.memory_space<vmem>>
        tpu.wait_dma2 semaphore(%dma_wait3A_271 : memref<!tpu.dma_semaphore, #tpu.memory_space<semaphore_mem>>) src(%dma_wait3A_277 : memref<128x128xi32, #tpu.memory_space<vmem>>) dst(%dma_wait3A_273 : memref<128x128xi32, #tpu.memory_space<hbm>>)
      } else {
      }
      %mul3A_211 = arith.constant 128 : i32
      %mul3A_212 = arith.muli %add3A_205, %mul3A_211 : i32
      %dma_start3A_213 = arith.constant 2 : i32
      %dma_start3A_214 = arith.constant 2 : i32
      %dma_start3A_215 = arith.constant 0 : i32
      %dma_start3A_216 = arith.constant 0 : i32
      %dma_start3A_217 = tpu.memref_slice %arg6[%dma_start3A_213, %dma_start3A_215, %dma_start3A_216] : memref<4x128x128xi32, #tpu.memory_space<vmem>> -> memref<1x128x128xi32, #tpu.memory_space<vmem>>
      %dma_start3A_218 = tpu.memref_squeeze %dma_start3A_217 : memref<1x128x128xi32, #tpu.memory_space<vmem>> -> memref<128x128xi32, #tpu.memory_space<vmem>>
      %dma_start3A_219 = tpu.memref_slice %arg5[%mul3A_212] : memref<8192xi32, #tpu.memory_space<vmem>> -> memref<128xi32, #tpu.memory_space<vmem>>
      %dma_start3A_220 = arith.constant 0 : i32
      %dma_start3A_221 = arith.constant 0 : i32
      %dma_start3A_222 = tpu.memref_slice %arg7[%dma_start3A_220, %dma_start3A_221] : memref<1001x128xi32, #tpu.memory_space<vmem_shared>> -> memref<1001x128xi32, #tpu.memory_space<vmem_shared>>
      %dma_start3A_223 = tpu.memref_slice %arg9[%dma_start3A_214] : memref<4x!tpu.dma_semaphore, #tpu.memory_space<semaphore_mem>> -> memref<1x!tpu.dma_semaphore, #tpu.memory_space<semaphore_mem>>
      %dma_start3A_224 = tpu.memref_squeeze %dma_start3A_223 : memref<1x!tpu.dma_semaphore, #tpu.memory_space<semaphore_mem>> -> memref<!tpu.dma_semaphore, #tpu.memory_space<semaphore_mem>>
      tpu.enqueue_indirect_dma source(%dma_start3A_222 : memref<1001x128xi32, #tpu.memory_space<vmem_shared>>) target(%dma_start3A_218 : memref<128x128xi32, #tpu.memory_space<vmem>>) offsets(%dma_start3A_219 : memref<128xi32, #tpu.memory_space<vmem>>) semaphore(%dma_start3A_224 : memref<!tpu.dma_semaphore, #tpu.memory_space<semaphore_mem>>)
      %ge3A_225 = arith.constant 2 : i32
      %ge3A_226 = arith.cmpi sge, %add3A_205, %ge3A_225 : i32
      %convert_element_type3A_227 = arith.extui %ge3A_226 : i1 to i32
      %cond3A_228 = arith.constant 0 : i32
      %cond3A_229 = arith.cmpi ne, %convert_element_type3A_227, %cond3A_228 : i32
      scf.if %cond3A_229 {
        %sub3A = arith.constant 2 : i32
        %sub3A_258 = arith.subi %add3A_205, %sub3A : i32
        %mul3A_259 = arith.constant 128 : i32
        %mul3A_260 = arith.muli %sub3A_258, %mul3A_259 : i32
        %dma_wait3A_261 = arith.constant 0 : i32
        %dma_wait3A_262 = arith.constant 0 : i32
        %dma_wait3A_263 = arith.constant 0 : i32
        %dma_wait3A_264 = arith.constant 0 : i32
        %dma_wait3A_265 = tpu.memref_slice %arg6[%dma_wait3A_261, %dma_wait3A_263, %dma_wait3A_264] : memref<4x128x128xi32, #tpu.memory_space<vmem>> -> memref<1x128x128xi32, #tpu.memory_space<vmem>>
        %dma_wait3A_266 = tpu.memref_squeeze %dma_wait3A_265 : memref<1x128x128xi32, #tpu.memory_space<vmem>> -> memref<128x128xi32, #tpu.memory_space<vmem>>
        %dma_wait3A_267 = tpu.memref_slice %arg5[%mul3A_260] : memref<8192xi32, #tpu.memory_space<vmem>> -> memref<128xi32, #tpu.memory_space<vmem>>
        %dma_wait3A_268 = arith.constant 0 : i32
        %dma_wait3A_269 = arith.constant 0 : i32
        %dma_wait3A_270 = tpu.memref_slice %arg7[%dma_wait3A_268, %dma_wait3A_269] : memref<1001x128xi32, #tpu.memory_space<vmem_shared>> -> memref<1001x128xi32, #tpu.memory_space<vmem_shared>>
        %dma_wait3A_271 = tpu.memref_slice %arg9[%dma_wait3A_262] : memref<4x!tpu.dma_semaphore, #tpu.memory_space<semaphore_mem>> -> memref<1x!tpu.dma_semaphore, #tpu.memory_space<semaphore_mem>>
        %dma_wait3A_272 = tpu.memref_squeeze %dma_wait3A_271 : memref<1x!tpu.dma_semaphore, #tpu.memory_space<semaphore_mem>> -> memref<!tpu.dma_semaphore, #tpu.memory_space<semaphore_mem>>
        tpu.wait_indirect_dma semaphore(%dma_wait3A_272 : memref<!tpu.dma_semaphore, #tpu.memory_space<semaphore_mem>>) src(%dma_wait3A_270 : memref<1001x128xi32, #tpu.memory_space<vmem_shared>>) dst(%dma_wait3A_266 : memref<128x128xi32, #tpu.memory_space<vmem>>)
        %sub3A_273 = arith.constant 2 : i32
        %sub3A_274 = arith.subi %add3A_205, %sub3A_273 : i32
        %mul3A_275 = arith.constant 128 : i32
        %mul3A_276 = arith.muli %sub3A_274, %mul3A_275 : i32
        %add3A_277 = arith.addi %mul3A_2, %mul3A_276 : i32
        %dma_start3A_278 = arith.constant 0 : i32
        %dma_start3A_279 = arith.constant 0 : i32
        %dma_start3A_280 = arith.constant 0 : i32
        %dma_start3A_281 = arith.constant 0 : i32
        %dma_start3A_282 = tpu.memref_slice %arg6[%dma_start3A_278, %dma_start3A_280, %dma_start3A_281] : memref<4x128x128xi32, #tpu.memory_space<vmem>> -> memref<1x128x128xi32, #tpu.memory_space<vmem>>
        %dma_start3A_283 = tpu.memref_squeeze %dma_start3A_282 : memref<1x128x128xi32, #tpu.memory_space<vmem>> -> memref<128x128xi32, #tpu.memory_space<vmem>>
        %dma_start3A_284 = arith.constant 0 : i32
        %dma_start3A_285 = tpu.memref_slice %arg4[%add3A_277, %dma_start3A_284] : memref<262144x128xi32, #tpu.memory_space<hbm>> -> memref<128x128xi32, #tpu.memory_space<hbm>>
        %dma_start3A_286 = tpu.memref_slice %arg10[%dma_start3A_279] : memref<4x!tpu.dma_semaphore, #tpu.memory_space<semaphore_mem>> -> memref<1x!tpu.dma_semaphore, #tpu.memory_space<semaphore_mem>>
        %dma_start3A_287 = tpu.memref_squeeze %dma_start3A_286 : memref<1x!tpu.dma_semaphore, #tpu.memory_space<semaphore_mem>> -> memref<!tpu.dma_semaphore, #tpu.memory_space<semaphore_mem>>
        %dma_start3A_288 = arith.constant 0 : i32
        %dma_start3A_289 = tpu.memref_slice %arg4[%add3A_277, %dma_start3A_288] : memref<262144x128xi32, #tpu.memory_space<hbm>> -> memref<128x128xi32, #tpu.memory_space<hbm>>
        %dma_start3A_290 = arith.constant 0 : i32
        %dma_start3A_291 = arith.constant 0 : i32
        %dma_start3A_292 = tpu.memref_slice %arg6[%dma_start3A_278, %dma_start3A_290, %dma_start3A_291] : memref<4x128x128xi32, #tpu.memory_space<vmem>> -> memref<1x128x128xi32, #tpu.memory_space<vmem>>
        %dma_start3A_293 = tpu.memref_squeeze %dma_start3A_292 : memref<1x128x128xi32, #tpu.memory_space<vmem>> -> memref<128x128xi32, #tpu.memory_space<vmem>>
        tpu.enqueue_dma source(%dma_start3A_293 : memref<128x128xi32, #tpu.memory_space<vmem>>) target(%dma_start3A_289 : memref<128x128xi32, #tpu.memory_space<hbm>>) target_semaphore(%dma_start3A_287 : memref<!tpu.dma_semaphore, #tpu.memory_space<semaphore_mem>>)
      } else {
      }
      %mul3A_230 = arith.constant 4 : i32
      %mul3A_231 = arith.muli %scan3A_146, %mul3A_230 : i32
      %add3A_232 = arith.constant 3 : i32
      %add3A_233 = arith.addi %mul3A_231, %add3A_232 : i32
      %ge3A_234 = arith.constant 4 : i32
      %ge3A_235 = arith.cmpi sge, %add3A_233, %ge3A_234 : i32
      %convert_element_type3A_236 = arith.extui %ge3A_235 : i1 to i32
      %cond3A_237 = arith.constant 0 : i32
      %cond3A_238 = arith.cmpi ne, %convert_element_type3A_236, %cond3A_237 : i32
      scf.if %cond3A_238 {
        %sub3A = arith.constant 4 : i32
        %sub3A_258 = arith.subi %add3A_233, %sub3A : i32
        %mul3A_259 = arith.constant 128 : i32
        %mul3A_260 = arith.muli %sub3A_258, %mul3A_259 : i32
        %add3A_261 = arith.addi %mul3A_2, %mul3A_260 : i32
        %dma_wait3A_262 = arith.constant 3 : i32
        %dma_wait3A_263 = arith.constant 3 : i32
        %dma_wait3A_264 = arith.constant 0 : i32
        %dma_wait3A_265 = arith.constant 0 : i32
        %dma_wait3A_266 = tpu.memref_slice %arg6[%dma_wait3A_262, %dma_wait3A_264, %dma_wait3A_265] : memref<4x128x128xi32, #tpu.memory_space<vmem>> -> memref<1x128x128xi32, #tpu.memory_space<vmem>>
        %dma_wait3A_267 = tpu.memref_squeeze %dma_wait3A_266 : memref<1x128x128xi32, #tpu.memory_space<vmem>> -> memref<128x128xi32, #tpu.memory_space<vmem>>
        %dma_wait3A_268 = arith.constant 0 : i32
        %dma_wait3A_269 = tpu.memref_slice %arg4[%add3A_261, %dma_wait3A_268] : memref<262144x128xi32, #tpu.memory_space<hbm>> -> memref<128x128xi32, #tpu.memory_space<hbm>>
        %dma_wait3A_270 = tpu.memref_slice %arg10[%dma_wait3A_263] : memref<4x!tpu.dma_semaphore, #tpu.memory_space<semaphore_mem>> -> memref<1x!tpu.dma_semaphore, #tpu.memory_space<semaphore_mem>>
        %dma_wait3A_271 = tpu.memref_squeeze %dma_wait3A_270 : memref<1x!tpu.dma_semaphore, #tpu.memory_space<semaphore_mem>> -> memref<!tpu.dma_semaphore, #tpu.memory_space<semaphore_mem>>
        %dma_wait3A_272 = arith.constant 0 : i32
        %dma_wait3A_273 = tpu.memref_slice %arg4[%add3A_261, %dma_wait3A_272] : memref<262144x128xi32, #tpu.memory_space<hbm>> -> memref<128x128xi32, #tpu.memory_space<hbm>>
        %dma_wait3A_274 = arith.constant 0 : i32
        %dma_wait3A_275 = arith.constant 0 : i32
        %dma_wait3A_276 = tpu.memref_slice %arg6[%dma_wait3A_262, %dma_wait3A_274, %dma_wait3A_275] : memref<4x128x128xi32, #tpu.memory_space<vmem>> -> memref<1x128x128xi32, #tpu.memory_space<vmem>>
        %dma_wait3A_277 = tpu.memref_squeeze %dma_wait3A_276 : memref<1x128x128xi32, #tpu.memory_space<vmem>> -> memref<128x128xi32, #tpu.memory_space<vmem>>
        tpu.wait_dma2 semaphore(%dma_wait3A_271 : memref<!tpu.dma_semaphore, #tpu.memory_space<semaphore_mem>>) src(%dma_wait3A_277 : memref<128x128xi32, #tpu.memory_space<vmem>>) dst(%dma_wait3A_273 : memref<128x128xi32, #tpu.memory_space<hbm>>)
      } else {
      }
      %mul3A_239 = arith.constant 128 : i32
      %mul3A_240 = arith.muli %add3A_233, %mul3A_239 : i32
      %dma_start3A_241 = arith.constant 3 : i32
      %dma_start3A_242 = arith.constant 3 : i32
      %dma_start3A_243 = arith.constant 0 : i32
      %dma_start3A_244 = arith.constant 0 : i32
      %dma_start3A_245 = tpu.memref_slice %arg6[%dma_start3A_241, %dma_start3A_243, %dma_start3A_244] : memref<4x128x128xi32, #tpu.memory_space<vmem>> -> memref<1x128x128xi32, #tpu.memory_space<vmem>>
      %dma_start3A_246 = tpu.memref_squeeze %dma_start3A_245 : memref<1x128x128xi32, #tpu.memory_space<vmem>> -> memref<128x128xi32, #tpu.memory_space<vmem>>
      %dma_start3A_247 = tpu.memref_slice %arg5[%mul3A_240] : memref<8192xi32, #tpu.memory_space<vmem>> -> memref<128xi32, #tpu.memory_space<vmem>>
      %dma_start3A_248 = arith.constant 0 : i32
      %dma_start3A_249 = arith.constant 0 : i32
      %dma_start3A_250 = tpu.memref_slice %arg7[%dma_start3A_248, %dma_start3A_249] : memref<1001x128xi32, #tpu.memory_space<vmem_shared>> -> memref<1001x128xi32, #tpu.memory_space<vmem_shared>>
      %dma_start3A_251 = tpu.memref_slice %arg9[%dma_start3A_242] : memref<4x!tpu.dma_semaphore, #tpu.memory_space<semaphore_mem>> -> memref<1x!tpu.dma_semaphore, #tpu.memory_space<semaphore_mem>>
      %dma_start3A_252 = tpu.memref_squeeze %dma_start3A_251 : memref<1x!tpu.dma_semaphore, #tpu.memory_space<semaphore_mem>> -> memref<!tpu.dma_semaphore, #tpu.memory_space<semaphore_mem>>
      tpu.enqueue_indirect_dma source(%dma_start3A_250 : memref<1001x128xi32, #tpu.memory_space<vmem_shared>>) target(%dma_start3A_246 : memref<128x128xi32, #tpu.memory_space<vmem>>) offsets(%dma_start3A_247 : memref<128xi32, #tpu.memory_space<vmem>>) semaphore(%dma_start3A_252 : memref<!tpu.dma_semaphore, #tpu.memory_space<semaphore_mem>>)
      %ge3A_253 = arith.constant 2 : i32
      %ge3A_254 = arith.cmpi sge, %add3A_233, %ge3A_253 : i32
      %convert_element_type3A_255 = arith.extui %ge3A_254 : i1 to i32
      %cond3A_256 = arith.constant 0 : i32
      %cond3A_257 = arith.cmpi ne, %convert_element_type3A_255, %cond3A_256 : i32
      scf.if %cond3A_257 {
        %sub3A = arith.constant 2 : i32
        %sub3A_258 = arith.subi %add3A_233, %sub3A : i32
        %mul3A_259 = arith.constant 128 : i32
        %mul3A_260 = arith.muli %sub3A_258, %mul3A_259 : i32
        %dma_wait3A_261 = arith.constant 1 : i32
        %dma_wait3A_262 = arith.constant 1 : i32
        %dma_wait3A_263 = arith.constant 0 : i32
        %dma_wait3A_264 = arith.constant 0 : i32
        %dma_wait3A_265 = tpu.memref_slice %arg6[%dma_wait3A_261, %dma_wait3A_263, %dma_wait3A_264] : memref<4x128x128xi32, #tpu.memory_space<vmem>> -> memref<1x128x128xi32, #tpu.memory_space<vmem>>
        %dma_wait3A_266 = tpu.memref_squeeze %dma_wait3A_265 : memref<1x128x128xi32, #tpu.memory_space<vmem>> -> memref<128x128xi32, #tpu.memory_space<vmem>>
        %dma_wait3A_267 = tpu.memref_slice %arg5[%mul3A_260] : memref<8192xi32, #tpu.memory_space<vmem>> -> memref<128xi32, #tpu.memory_space<vmem>>
        %dma_wait3A_268 = arith.constant 0 : i32
        %dma_wait3A_269 = arith.constant 0 : i32
        %dma_wait3A_270 = tpu.memref_slice %arg7[%dma_wait3A_268, %dma_wait3A_269] : memref<1001x128xi32, #tpu.memory_space<vmem_shared>> -> memref<1001x128xi32, #tpu.memory_space<vmem_shared>>
        %dma_wait3A_271 = tpu.memref_slice %arg9[%dma_wait3A_262] : memref<4x!tpu.dma_semaphore, #tpu.memory_space<semaphore_mem>> -> memref<1x!tpu.dma_semaphore, #tpu.memory_space<semaphore_mem>>
        %dma_wait3A_272 = tpu.memref_squeeze %dma_wait3A_271 : memref<1x!tpu.dma_semaphore, #tpu.memory_space<semaphore_mem>> -> memref<!tpu.dma_semaphore, #tpu.memory_space<semaphore_mem>>
        tpu.wait_indirect_dma semaphore(%dma_wait3A_272 : memref<!tpu.dma_semaphore, #tpu.memory_space<semaphore_mem>>) src(%dma_wait3A_270 : memref<1001x128xi32, #tpu.memory_space<vmem_shared>>) dst(%dma_wait3A_266 : memref<128x128xi32, #tpu.memory_space<vmem>>)
        %sub3A_273 = arith.constant 2 : i32
        %sub3A_274 = arith.subi %add3A_233, %sub3A_273 : i32
        %mul3A_275 = arith.constant 128 : i32
        %mul3A_276 = arith.muli %sub3A_274, %mul3A_275 : i32
        %add3A_277 = arith.addi %mul3A_2, %mul3A_276 : i32
        %dma_start3A_278 = arith.constant 1 : i32
        %dma_start3A_279 = arith.constant 1 : i32
        %dma_start3A_280 = arith.constant 0 : i32
        %dma_start3A_281 = arith.constant 0 : i32
        %dma_start3A_282 = tpu.memref_slice %arg6[%dma_start3A_278, %dma_start3A_280, %dma_start3A_281] : memref<4x128x128xi32, #tpu.memory_space<vmem>> -> memref<1x128x128xi32, #tpu.memory_space<vmem>>
        %dma_start3A_283 = tpu.memref_squeeze %dma_start3A_282 : memref<1x128x128xi32, #tpu.memory_space<vmem>> -> memref<128x128xi32, #tpu.memory_space<vmem>>
        %dma_start3A_284 = arith.constant 0 : i32
        %dma_start3A_285 = tpu.memref_slice %arg4[%add3A_277, %dma_start3A_284] : memref<262144x128xi32, #tpu.memory_space<hbm>> -> memref<128x128xi32, #tpu.memory_space<hbm>>
        %dma_start3A_286 = tpu.memref_slice %arg10[%dma_start3A_279] : memref<4x!tpu.dma_semaphore, #tpu.memory_space<semaphore_mem>> -> memref<1x!tpu.dma_semaphore, #tpu.memory_space<semaphore_mem>>
        %dma_start3A_287 = tpu.memref_squeeze %dma_start3A_286 : memref<1x!tpu.dma_semaphore, #tpu.memory_space<semaphore_mem>> -> memref<!tpu.dma_semaphore, #tpu.memory_space<semaphore_mem>>
        %dma_start3A_288 = arith.constant 0 : i32
        %dma_start3A_289 = tpu.memref_slice %arg4[%add3A_277, %dma_start3A_288] : memref<262144x128xi32, #tpu.memory_space<hbm>> -> memref<128x128xi32, #tpu.memory_space<hbm>>
        %dma_start3A_290 = arith.constant 0 : i32
        %dma_start3A_291 = arith.constant 0 : i32
        %dma_start3A_292 = tpu.memref_slice %arg6[%dma_start3A_278, %dma_start3A_290, %dma_start3A_291] : memref<4x128x128xi32, #tpu.memory_space<vmem>> -> memref<1x128x128xi32, #tpu.memory_space<vmem>>
        %dma_start3A_293 = tpu.memref_squeeze %dma_start3A_292 : memref<1x128x128xi32, #tpu.memory_space<vmem>> -> memref<128x128xi32, #tpu.memory_space<vmem>>
        tpu.enqueue_dma source(%dma_start3A_293 : memref<128x128xi32, #tpu.memory_space<vmem>>) target(%dma_start3A_289 : memref<128x128xi32, #tpu.memory_space<hbm>>) target_semaphore(%dma_start3A_287 : memref<!tpu.dma_semaphore, #tpu.memory_space<semaphore_mem>>)
      } else {
      }
    }
    %scan3A_11 = arith.constant 16 : i32
    %dma_wait3A_12 = arith.constant 2 : i32
    %dma_wait3A_13 = arith.constant 2 : i32
    %dma_wait3A_14 = arith.constant 0 : i32
    %dma_wait3A_15 = arith.constant 0 : i32
    %dma_wait3A_16 = tpu.memref_slice %arg6[%dma_wait3A_12, %dma_wait3A_14, %dma_wait3A_15] : memref<4x128x128xi32, #tpu.memory_space<vmem>> -> memref<1x128x128xi32, #tpu.memory_space<vmem>>
    %dma_wait3A_17 = tpu.memref_squeeze %dma_wait3A_16 : memref<1x128x128xi32, #tpu.memory_space<vmem>> -> memref<128x128xi32, #tpu.memory_space<vmem>>
    %dma_wait3A_18 = arith.constant 7936 : i32
    %dma_wait3A_19 = tpu.memref_slice %arg5[%dma_wait3A_18] : memref<8192xi32, #tpu.memory_space<vmem>> -> memref<128xi32, #tpu.memory_space<vmem>>
    %dma_wait3A_20 = arith.constant 0 : i32
    %dma_wait3A_21 = arith.constant 0 : i32
    %dma_wait3A_22 = tpu.memref_slice %arg7[%dma_wait3A_20, %dma_wait3A_21] : memref<1001x128xi32, #tpu.memory_space<vmem_shared>> -> memref<1001x128xi32, #tpu.memory_space<vmem_shared>>
    %dma_wait3A_23 = tpu.memref_slice %arg9[%dma_wait3A_13] : memref<4x!tpu.dma_semaphore, #tpu.memory_space<semaphore_mem>> -> memref<1x!tpu.dma_semaphore, #tpu.memory_space<semaphore_mem>>
    %dma_wait3A_24 = tpu.memref_squeeze %dma_wait3A_23 : memref<1x!tpu.dma_semaphore, #tpu.memory_space<semaphore_mem>> -> memref<!tpu.dma_semaphore, #tpu.memory_space<semaphore_mem>>
    tpu.wait_indirect_dma semaphore(%dma_wait3A_24 : memref<!tpu.dma_semaphore, #tpu.memory_space<semaphore_mem>>) src(%dma_wait3A_22 : memref<1001x128xi32, #tpu.memory_space<vmem_shared>>) dst(%dma_wait3A_17 : memref<128x128xi32, #tpu.memory_space<vmem>>)
    %add3A_25 = arith.constant 7936 : i32
    %add3A_26 = arith.addi %mul3A_2, %add3A_25 : i32
    %dma_start3A_27 = arith.constant 2 : i32
    %dma_start3A_28 = arith.constant 2 : i32
    %dma_start3A_29 = arith.constant 0 : i32
    %dma_start3A_30 = arith.constant 0 : i32
    %dma_start3A_31 = tpu.memref_slice %arg6[%dma_start3A_27, %dma_start3A_29, %dma_start3A_30] : memref<4x128x128xi32, #tpu.memory_space<vmem>> -> memref<1x128x128xi32, #tpu.memory_space<vmem>>
    %dma_start3A_32 = tpu.memref_squeeze %dma_start3A_31 : memref<1x128x128xi32, #tpu.memory_space<vmem>> -> memref<128x128xi32, #tpu.memory_space<vmem>>
    %dma_start3A_33 = arith.constant 0 : i32
    %dma_start3A_34 = tpu.memref_slice %arg4[%add3A_26, %dma_start3A_33] : memref<262144x128xi32, #tpu.memory_space<hbm>> -> memref<128x128xi32, #tpu.memory_space<hbm>>
    %dma_start3A_35 = tpu.memref_slice %arg10[%dma_start3A_28] : memref<4x!tpu.dma_semaphore, #tpu.memory_space<semaphore_mem>> -> memref<1x!tpu.dma_semaphore, #tpu.memory_space<semaphore_mem>>
    %dma_start3A_36 = tpu.memref_squeeze %dma_start3A_35 : memref<1x!tpu.dma_semaphore, #tpu.memory_space<semaphore_mem>> -> memref<!tpu.dma_semaphore, #tpu.memory_space<semaphore_mem>>
    %dma_start3A_37 = arith.constant 0 : i32
    %dma_start3A_38 = tpu.memref_slice %arg4[%add3A_26, %dma_start3A_37] : memref<262144x128xi32, #tpu.memory_space<hbm>> -> memref<128x128xi32, #tpu.memory_space<hbm>>
    %dma_start3A_39 = arith.constant 0 : i32
    %dma_start3A_40 = arith.constant 0 : i32
    %dma_start3A_41 = tpu.memref_slice %arg6[%dma_start3A_27, %dma_start3A_39, %dma_start3A_40] : memref<4x128x128xi32, #tpu.memory_space<vmem>> -> memref<1x128x128xi32, #tpu.memory_space<vmem>>
    %dma_start3A_42 = tpu.memref_squeeze %dma_start3A_41 : memref<1x128x128xi32, #tpu.memory_space<vmem>> -> memref<128x128xi32, #tpu.memory_space<vmem>>
    tpu.enqueue_dma source(%dma_start3A_42 : memref<128x128xi32, #tpu.memory_space<vmem>>) target(%dma_start3A_38 : memref<128x128xi32, #tpu.memory_space<hbm>>) target_semaphore(%dma_start3A_36 : memref<!tpu.dma_semaphore, #tpu.memory_space<semaphore_mem>>)
    %dma_wait3A_43 = arith.constant 3 : i32
    %dma_wait3A_44 = arith.constant 3 : i32
    %dma_wait3A_45 = arith.constant 0 : i32
    %dma_wait3A_46 = arith.constant 0 : i32
    %dma_wait3A_47 = tpu.memref_slice %arg6[%dma_wait3A_43, %dma_wait3A_45, %dma_wait3A_46] : memref<4x128x128xi32, #tpu.memory_space<vmem>> -> memref<1x128x128xi32, #tpu.memory_space<vmem>>
    %dma_wait3A_48 = tpu.memref_squeeze %dma_wait3A_47 : memref<1x128x128xi32, #tpu.memory_space<vmem>> -> memref<128x128xi32, #tpu.memory_space<vmem>>
    %dma_wait3A_49 = arith.constant 8064 : i32
    %dma_wait3A_50 = tpu.memref_slice %arg5[%dma_wait3A_49] : memref<8192xi32, #tpu.memory_space<vmem>> -> memref<128xi32, #tpu.memory_space<vmem>>
    %dma_wait3A_51 = arith.constant 0 : i32
    %dma_wait3A_52 = arith.constant 0 : i32
    %dma_wait3A_53 = tpu.memref_slice %arg7[%dma_wait3A_51, %dma_wait3A_52] : memref<1001x128xi32, #tpu.memory_space<vmem_shared>> -> memref<1001x128xi32, #tpu.memory_space<vmem_shared>>
    %dma_wait3A_54 = tpu.memref_slice %arg9[%dma_wait3A_44] : memref<4x!tpu.dma_semaphore, #tpu.memory_space<semaphore_mem>> -> memref<1x!tpu.dma_semaphore, #tpu.memory_space<semaphore_mem>>
    %dma_wait3A_55 = tpu.memref_squeeze %dma_wait3A_54 : memref<1x!tpu.dma_semaphore, #tpu.memory_space<semaphore_mem>> -> memref<!tpu.dma_semaphore, #tpu.memory_space<semaphore_mem>>
    tpu.wait_indirect_dma semaphore(%dma_wait3A_55 : memref<!tpu.dma_semaphore, #tpu.memory_space<semaphore_mem>>) src(%dma_wait3A_53 : memref<1001x128xi32, #tpu.memory_space<vmem_shared>>) dst(%dma_wait3A_48 : memref<128x128xi32, #tpu.memory_space<vmem>>)
    %add3A_56 = arith.constant 8064 : i32
    %add3A_57 = arith.addi %mul3A_2, %add3A_56 : i32
    %dma_start3A_58 = arith.constant 3 : i32
    %dma_start3A_59 = arith.constant 3 : i32
    %dma_start3A_60 = arith.constant 0 : i32
    %dma_start3A_61 = arith.constant 0 : i32
    %dma_start3A_62 = tpu.memref_slice %arg6[%dma_start3A_58, %dma_start3A_60, %dma_start3A_61] : memref<4x128x128xi32, #tpu.memory_space<vmem>> -> memref<1x128x128xi32, #tpu.memory_space<vmem>>
    %dma_start3A_63 = tpu.memref_squeeze %dma_start3A_62 : memref<1x128x128xi32, #tpu.memory_space<vmem>> -> memref<128x128xi32, #tpu.memory_space<vmem>>
    %dma_start3A_64 = arith.constant 0 : i32
    %dma_start3A_65 = tpu.memref_slice %arg4[%add3A_57, %dma_start3A_64] : memref<262144x128xi32, #tpu.memory_space<hbm>> -> memref<128x128xi32, #tpu.memory_space<hbm>>
    %dma_start3A_66 = tpu.memref_slice %arg10[%dma_start3A_59] : memref<4x!tpu.dma_semaphore, #tpu.memory_space<semaphore_mem>> -> memref<1x!tpu.dma_semaphore, #tpu.memory_space<semaphore_mem>>
    %dma_start3A_67 = tpu.memref_squeeze %dma_start3A_66 : memref<1x!tpu.dma_semaphore, #tpu.memory_space<semaphore_mem>> -> memref<!tpu.dma_semaphore, #tpu.memory_space<semaphore_mem>>
    %dma_start3A_68 = arith.constant 0 : i32
    %dma_start3A_69 = tpu.memref_slice %arg4[%add3A_57, %dma_start3A_68] : memref<262144x128xi32, #tpu.memory_space<hbm>> -> memref<128x128xi32, #tpu.memory_space<hbm>>
    %dma_start3A_70 = arith.constant 0 : i32
    %dma_start3A_71 = arith.constant 0 : i32
    %dma_start3A_72 = tpu.memref_slice %arg6[%dma_start3A_58, %dma_start3A_70, %dma_start3A_71] : memref<4x128x128xi32, #tpu.memory_space<vmem>> -> memref<1x128x128xi32, #tpu.memory_space<vmem>>
    %dma_start3A_73 = tpu.memref_squeeze %dma_start3A_72 : memref<1x128x128xi32, #tpu.memory_space<vmem>> -> memref<128x128xi32, #tpu.memory_space<vmem>>
    tpu.enqueue_dma source(%dma_start3A_73 : memref<128x128xi32, #tpu.memory_space<vmem>>) target(%dma_start3A_69 : memref<128x128xi32, #tpu.memory_space<hbm>>) target_semaphore(%dma_start3A_67 : memref<!tpu.dma_semaphore, #tpu.memory_space<semaphore_mem>>)
    %add3A_74 = arith.constant 7680 : i32
    %add3A_75 = arith.addi %mul3A_2, %add3A_74 : i32
    %dma_wait3A_76 = arith.constant 0 : i32
    %dma_wait3A_77 = arith.constant 0 : i32
    %dma_wait3A_78 = arith.constant 0 : i32
    %dma_wait3A_79 = arith.constant 0 : i32
    %dma_wait3A_80 = tpu.memref_slice %arg6[%dma_wait3A_76, %dma_wait3A_78, %dma_wait3A_79] : memref<4x128x128xi32, #tpu.memory_space<vmem>> -> memref<1x128x128xi32, #tpu.memory_space<vmem>>
    %dma_wait3A_81 = tpu.memref_squeeze %dma_wait3A_80 : memref<1x128x128xi32, #tpu.memory_space<vmem>> -> memref<128x128xi32, #tpu.memory_space<vmem>>
    %dma_wait3A_82 = arith.constant 0 : i32
    %dma_wait3A_83 = tpu.memref_slice %arg4[%add3A_75, %dma_wait3A_82] : memref<262144x128xi32, #tpu.memory_space<hbm>> -> memref<128x128xi32, #tpu.memory_space<hbm>>
    %dma_wait3A_84 = tpu.memref_slice %arg10[%dma_wait3A_77] : memref<4x!tpu.dma_semaphore, #tpu.memory_space<semaphore_mem>> -> memref<1x!tpu.dma_semaphore, #tpu.memory_space<semaphore_mem>>
    %dma_wait3A_85 = tpu.memref_squeeze %dma_wait3A_84 : memref<1x!tpu.dma_semaphore, #tpu.memory_space<semaphore_mem>> -> memref<!tpu.dma_semaphore, #tpu.memory_space<semaphore_mem>>
    %dma_wait3A_86 = arith.constant 0 : i32
    %dma_wait3A_87 = tpu.memref_slice %arg4[%add3A_75, %dma_wait3A_86] : memref<262144x128xi32, #tpu.memory_space<hbm>> -> memref<128x128xi32, #tpu.memory_space<hbm>>
    %dma_wait3A_88 = arith.constant 0 : i32
    %dma_wait3A_89 = arith.constant 0 : i32
    %dma_wait3A_90 = tpu.memref_slice %arg6[%dma_wait3A_76, %dma_wait3A_88, %dma_wait3A_89] : memref<4x128x128xi32, #tpu.memory_space<vmem>> -> memref<1x128x128xi32, #tpu.memory_space<vmem>>
    %dma_wait3A_91 = tpu.memref_squeeze %dma_wait3A_90 : memref<1x128x128xi32, #tpu.memory_space<vmem>> -> memref<128x128xi32, #tpu.memory_space<vmem>>
    tpu.wait_dma2 semaphore(%dma_wait3A_85 : memref<!tpu.dma_semaphore, #tpu.memory_space<semaphore_mem>>) src(%dma_wait3A_91 : memref<128x128xi32, #tpu.memory_space<vmem>>) dst(%dma_wait3A_87 : memref<128x128xi32, #tpu.memory_space<hbm>>)
    %add3A_92 = arith.constant 7808 : i32
    %add3A_93 = arith.addi %mul3A_2, %add3A_92 : i32
    %dma_wait3A_94 = arith.constant 1 : i32
    %dma_wait3A_95 = arith.constant 1 : i32
    %dma_wait3A_96 = arith.constant 0 : i32
    %dma_wait3A_97 = arith.constant 0 : i32
    %dma_wait3A_98 = tpu.memref_slice %arg6[%dma_wait3A_94, %dma_wait3A_96, %dma_wait3A_97] : memref<4x128x128xi32, #tpu.memory_space<vmem>> -> memref<1x128x128xi32, #tpu.memory_space<vmem>>
    %dma_wait3A_99 = tpu.memref_squeeze %dma_wait3A_98 : memref<1x128x128xi32, #tpu.memory_space<vmem>> -> memref<128x128xi32, #tpu.memory_space<vmem>>
    %dma_wait3A_100 = arith.constant 0 : i32
    %dma_wait3A_101 = tpu.memref_slice %arg4[%add3A_93, %dma_wait3A_100] : memref<262144x128xi32, #tpu.memory_space<hbm>> -> memref<128x128xi32, #tpu.memory_space<hbm>>
    %dma_wait3A_102 = tpu.memref_slice %arg10[%dma_wait3A_95] : memref<4x!tpu.dma_semaphore, #tpu.memory_space<semaphore_mem>> -> memref<1x!tpu.dma_semaphore, #tpu.memory_space<semaphore_mem>>
    %dma_wait3A_103 = tpu.memref_squeeze %dma_wait3A_102 : memref<1x!tpu.dma_semaphore, #tpu.memory_space<semaphore_mem>> -> memref<!tpu.dma_semaphore, #tpu.memory_space<semaphore_mem>>
    %dma_wait3A_104 = arith.constant 0 : i32
    %dma_wait3A_105 = tpu.memref_slice %arg4[%add3A_93, %dma_wait3A_104] : memref<262144x128xi32, #tpu.memory_space<hbm>> -> memref<128x128xi32, #tpu.memory_space<hbm>>
    %dma_wait3A_106 = arith.constant 0 : i32
    %dma_wait3A_107 = arith.constant 0 : i32
    %dma_wait3A_108 = tpu.memref_slice %arg6[%dma_wait3A_94, %dma_wait3A_106, %dma_wait3A_107] : memref<4x128x128xi32, #tpu.memory_space<vmem>> -> memref<1x128x128xi32, #tpu.memory_space<vmem>>
    %dma_wait3A_109 = tpu.memref_squeeze %dma_wait3A_108 : memref<1x128x128xi32, #tpu.memory_space<vmem>> -> memref<128x128xi32, #tpu.memory_space<vmem>>
    tpu.wait_dma2 semaphore(%dma_wait3A_103 : memref<!tpu.dma_semaphore, #tpu.memory_space<semaphore_mem>>) src(%dma_wait3A_109 : memref<128x128xi32, #tpu.memory_space<vmem>>) dst(%dma_wait3A_105 : memref<128x128xi32, #tpu.memory_space<hbm>>)
    %add3A_110 = arith.constant 7936 : i32
    %add3A_111 = arith.addi %mul3A_2, %add3A_110 : i32
    %dma_wait3A_112 = arith.constant 2 : i32
    %dma_wait3A_113 = arith.constant 2 : i32
    %dma_wait3A_114 = arith.constant 0 : i32
    %dma_wait3A_115 = arith.constant 0 : i32
    %dma_wait3A_116 = tpu.memref_slice %arg6[%dma_wait3A_112, %dma_wait3A_114, %dma_wait3A_115] : memref<4x128x128xi32, #tpu.memory_space<vmem>> -> memref<1x128x128xi32, #tpu.memory_space<vmem>>
    %dma_wait3A_117 = tpu.memref_squeeze %dma_wait3A_116 : memref<1x128x128xi32, #tpu.memory_space<vmem>> -> memref<128x128xi32, #tpu.memory_space<vmem>>
    %dma_wait3A_118 = arith.constant 0 : i32
    %dma_wait3A_119 = tpu.memref_slice %arg4[%add3A_111, %dma_wait3A_118] : memref<262144x128xi32, #tpu.memory_space<hbm>> -> memref<128x128xi32, #tpu.memory_space<hbm>>
    %dma_wait3A_120 = tpu.memref_slice %arg10[%dma_wait3A_113] : memref<4x!tpu.dma_semaphore, #tpu.memory_space<semaphore_mem>> -> memref<1x!tpu.dma_semaphore, #tpu.memory_space<semaphore_mem>>
    %dma_wait3A_121 = tpu.memref_squeeze %dma_wait3A_120 : memref<1x!tpu.dma_semaphore, #tpu.memory_space<semaphore_mem>> -> memref<!tpu.dma_semaphore, #tpu.memory_space<semaphore_mem>>
    %dma_wait3A_122 = arith.constant 0 : i32
    %dma_wait3A_123 = tpu.memref_slice %arg4[%add3A_111, %dma_wait3A_122] : memref<262144x128xi32, #tpu.memory_space<hbm>> -> memref<128x128xi32, #tpu.memory_space<hbm>>
    %dma_wait3A_124 = arith.constant 0 : i32
    %dma_wait3A_125 = arith.constant 0 : i32
    %dma_wait3A_126 = tpu.memref_slice %arg6[%dma_wait3A_112, %dma_wait3A_124, %dma_wait3A_125] : memref<4x128x128xi32, #tpu.memory_space<vmem>> -> memref<1x128x128xi32, #tpu.memory_space<vmem>>
    %dma_wait3A_127 = tpu.memref_squeeze %dma_wait3A_126 : memref<1x128x128xi32, #tpu.memory_space<vmem>> -> memref<128x128xi32, #tpu.memory_space<vmem>>
    tpu.wait_dma2 semaphore(%dma_wait3A_121 : memref<!tpu.dma_semaphore, #tpu.memory_space<semaphore_mem>>) src(%dma_wait3A_127 : memref<128x128xi32, #tpu.memory_space<vmem>>) dst(%dma_wait3A_123 : memref<128x128xi32, #tpu.memory_space<hbm>>)
    %add3A_128 = arith.constant 8064 : i32
    %add3A_129 = arith.addi %mul3A_2, %add3A_128 : i32
    %dma_wait3A_130 = arith.constant 3 : i32
    %dma_wait3A_131 = arith.constant 3 : i32
    %dma_wait3A_132 = arith.constant 0 : i32
    %dma_wait3A_133 = arith.constant 0 : i32
    %dma_wait3A_134 = tpu.memref_slice %arg6[%dma_wait3A_130, %dma_wait3A_132, %dma_wait3A_133] : memref<4x128x128xi32, #tpu.memory_space<vmem>> -> memref<1x128x128xi32, #tpu.memory_space<vmem>>
    %dma_wait3A_135 = tpu.memref_squeeze %dma_wait3A_134 : memref<1x128x128xi32, #tpu.memory_space<vmem>> -> memref<128x128xi32, #tpu.memory_space<vmem>>
    %dma_wait3A_136 = arith.constant 0 : i32
    %dma_wait3A_137 = tpu.memref_slice %arg4[%add3A_129, %dma_wait3A_136] : memref<262144x128xi32, #tpu.memory_space<hbm>> -> memref<128x128xi32, #tpu.memory_space<hbm>>
    %dma_wait3A_138 = tpu.memref_slice %arg10[%dma_wait3A_131] : memref<4x!tpu.dma_semaphore, #tpu.memory_space<semaphore_mem>> -> memref<1x!tpu.dma_semaphore, #tpu.memory_space<semaphore_mem>>
    %dma_wait3A_139 = tpu.memref_squeeze %dma_wait3A_138 : memref<1x!tpu.dma_semaphore, #tpu.memory_space<semaphore_mem>> -> memref<!tpu.dma_semaphore, #tpu.memory_space<semaphore_mem>>
    %dma_wait3A_140 = arith.constant 0 : i32
    %dma_wait3A_141 = tpu.memref_slice %arg4[%add3A_129, %dma_wait3A_140] : memref<262144x128xi32, #tpu.memory_space<hbm>> -> memref<128x128xi32, #tpu.memory_space<hbm>>
    %dma_wait3A_142 = arith.constant 0 : i32
    %dma_wait3A_143 = arith.constant 0 : i32
    %dma_wait3A_144 = tpu.memref_slice %arg6[%dma_wait3A_130, %dma_wait3A_142, %dma_wait3A_143] : memref<4x128x128xi32, #tpu.memory_space<vmem>> -> memref<1x128x128xi32, #tpu.memory_space<vmem>>
    %dma_wait3A_145 = tpu.memref_squeeze %dma_wait3A_144 : memref<1x128x128xi32, #tpu.memory_space<vmem>> -> memref<128x128xi32, #tpu.memory_space<vmem>>
    tpu.wait_dma2 semaphore(%dma_wait3A_139 : memref<!tpu.dma_semaphore, #tpu.memory_space<semaphore_mem>>) src(%dma_wait3A_145 : memref<128x128xi32, #tpu.memory_space<vmem>>) dst(%dma_wait3A_141 : memref<128x128xi32, #tpu.memory_space<hbm>>)
    return
  }
}

module attributes {stable_mosaic.version = 14 : i64} {
  func.func @_tc_body(%arg0: i32, %arg1: memref<8192x34xf32, #tpu.memory_space<vmem>>, %arg2: memref<8192x128xi32, #tpu.memory_space<vmem>>, %arg3: memref<34x256xf32, #tpu.memory_space<vmem>>, %arg4: memref<1x256xf32, #tpu.memory_space<vmem>>, %arg5: memref<8192x256xf32, #tpu.memory_space<vmem>>) attributes {dimension_semantics = [#tpu.dimension_semantics<arbitrary>], iteration_bounds = array<i64: 32>, scalar_prefetch = 0 : i64, scratch_operands = 0 : i64, tpu.core_type = #tpu.core_type<tc>, window_params = [{transform_indices = @transform_0, window_bounds = array<i64: 8192, 34>}, {transform_indices = @transform_1, window_bounds = array<i64: 8192, 128>}, {pipeline_mode = #tpu.pipeline_mode<synchronous>, transform_indices = @transform_2, window_bounds = array<i64: 34, 256>}, {pipeline_mode = #tpu.pipeline_mode<synchronous>, transform_indices = @transform_3, window_bounds = array<i64: 1, 256>}, {transform_indices = @transform_4, window_bounds = array<i64: 8192, 256>}]} {
    %get3A = arith.constant 0 : index
    %get3A_0 = arith.constant 0 : index
    %get3A_1 = vector.load %arg1[%get3A, %get3A_0] : memref<8192x34xf32, #tpu.memory_space<vmem>>, vector<8192x34xf32>
    %get3A_2 = arith.constant 0 : index
    %get3A_3 = arith.constant 0 : index
    %get3A_4 = vector.load %arg3[%get3A_2, %get3A_3] : memref<34x256xf32, #tpu.memory_space<vmem>>, vector<34x256xf32>
    %dot_general3A = arith.constant dense<0.000000e+00> : vector<8192x256xf32>
    %dot_general3A_5 = tpu.matmul %get3A_1, %get3A_4, %dot_general3A {dimension_numbers = #tpu.dot_dimension_numbers<[1], [0], [0], [1], [0, 0, 1, 1], [], []>, transpose_lhs_hint = false} : vector<8192x34xf32>, vector<34x256xf32>, vector<8192x256xf32> -> vector<8192x256xf32>
    %get3A_6 = arith.constant 0 : index
    %get3A_7 = arith.constant 0 : index
    %get3A_8 = vector.load %arg4[%get3A_6, %get3A_7] : memref<1x256xf32, #tpu.memory_space<vmem>>, vector<1x256xf32>
    %add3A = vector.broadcast %get3A_8 : vector<1x256xf32> to vector<8192x256xf32>
    %add3A_9 = arith.addf %dot_general3A_5, %add3A : vector<8192x256xf32>
    %get3A_10 = arith.constant 0 : index
    %get3A_11 = arith.constant 0 : index
    %get3A_12 = vector.load %arg2[%get3A_10, %get3A_11] : memref<8192x128xi32, #tpu.memory_space<vmem>>, vector<8192x128xi32>
    %and3A = arith.constant -65536 : i32
    %and3A_13 = vector.broadcast %and3A : i32 to vector<8192x128xi32>
    %and3A_14 = arith.andi %get3A_12, %and3A_13 : vector<8192x128xi32>
    %bitcast_convert_type3A = tpu.bitcast %and3A_14 : vector<8192x128xi32> -> vector<8192x128xf32>
    %shift_left3A = arith.constant 16 : i32
    %shift_left3A_15 = vector.broadcast %shift_left3A : i32 to vector<8192x128xi32>
    %shift_left3A_16 = arith.shli %get3A_12, %shift_left3A_15 : vector<8192x128xi32>
    %bitcast_convert_type3A_17 = tpu.bitcast %shift_left3A_16 : vector<8192x128xi32> -> vector<8192x128xf32>
    %concatenate3A = tpu.concatenate %bitcast_convert_type3A, %bitcast_convert_type3A_17 in 1 : vector<8192x128xf32>, vector<8192x128xf32> -> vector<8192x256xf32>
    %add3A_18 = arith.addf %add3A_9, %concatenate3A : vector<8192x256xf32>
    %swap3A = arith.constant 0 : index
    %swap3A_19 = arith.constant 0 : index
    %swap3A_20 = vector.load %arg5[%swap3A, %swap3A_19] : memref<8192x256xf32, #tpu.memory_space<vmem>>, vector<8192x256xf32>
    tpu.vector_store %arg5[%swap3A, %swap3A_19], %add3A_18 {strides = array<i32>} : memref<8192x256xf32, #tpu.memory_space<vmem>>, vector<8192x256xf32>,
    return
  }
  func.func @transform_0(%arg0: i32) -> (i32, i32) {
    %c0_i32 = arith.constant 0 : i32
    %c0_i32_0 = arith.constant 0 : i32
    return %arg0, %c0_i32 : i32, i32
  }
  func.func @transform_1(%arg0: i32) -> (i32, i32) {
    %c0_i32 = arith.constant 0 : i32
    %c0_i32_0 = arith.constant 0 : i32
    return %arg0, %c0_i32 : i32, i32
  }
  func.func @transform_2(%arg0: i32) -> (i32, i32) {
    %c0_i32 = arith.constant 0 : i32
    %c0_i32_0 = arith.constant 0 : i32
    %c0_i32_1 = arith.constant 0 : i32
    return %c0_i32, %c0_i32_0 : i32, i32
  }
  func.func @transform_3(%arg0: i32) -> (i32, i32) {
    %c0_i32 = arith.constant 0 : i32
    %c0_i32_0 = arith.constant 0 : i32
    %c0_i32_1 = arith.constant 0 : i32
    return %c0_i32, %c0_i32_0 : i32, i32
  }
  func.func @transform_4(%arg0: i32) -> (i32, i32) {
    %c0_i32 = arith.constant 0 : i32
    %c0_i32_0 = arith.constant 0 : i32
    return %arg0, %c0_i32 : i32, i32
  }
}

</mosaic_0001>

<sc_bundles>
// kernel: kernel.4.cloned.1.call-start
scs
__scs_entry_jumppad:
0x0: {  	(pc) =	sbr.rel $0x88, $3  }
0x1: {  	(tag) =	ssettag $0x0;
	lr =	simm.s32 $0x1  }
0x2: {  	[smem:$0x3F9C] =	sst lr;
	_ =	strace $0xD0000000  }
0x3: {  	_ = 	snop  }
0x4: {  	_ = 	snop  }
0x5: {  	_ = 	snop  }
0x6: {  	_ = 	snop  }
0x7: {  	_ = 	snop  }
__scs_overlays_trampoline_lowered:
0x8: {  	[smem:$0x3FAB] =	sst s0  }
0x9: {  	[smem:$0x3FAC] =	sst s1  }
0xa: {  	[smem:$0x3FAD] =	sst s2  }
0xb: {  	[smem:$0x3FAE] =	sst s3  }
0xc: {  	[smem:$0x3FAF] =	sst s4  }
0xd: {  	[smem:$0x3FB0] =	sst s5  }
0xe: {  	[smem:$0x3FB1] =	sst s6  }
0xf: {  	[smem:$0x3FB2] =	sst s7  }
0x10: {  	[smem:$0x3FB3] =	sst s8  }
0x11: {  	[smem:$0x3FB4] =	sst s9;
	s0 =	simm.s32 @!p0 $0x0  }
0x12: {  	s1 =	sld [smem:$0x3F9A];
	s0 =	simm.s32 @p0 $0x1  }
0x13: {  	[smem:$0x3FB5] =	sst s0;
	s0 =	simm.s32 @!p1 $0x0  }
0x14: {  	s2 =	sld [smem:$0x3F99];
	s0 =	simm.s32 @p1 $0x1  }
0x15: {  	[smem:$0x3FB6] =	sst s0;
	s0 =	simm.s32 @!p2 $0x0  }
0x16: {  	s3 =	sld [smem:$0x3FDB];
	s0 =	simm.s32 @p2 $0x1  }
0x17: {  	s4 =	simm.s32 $0x1BF5;
	[smem:$0x3FB8] =	sst s0  }
0x18: {  	s0 =	sld [smem:$0x3F9B];
	_ =	swait.ge [sflag:s4], $0x0  }
0x19: {  	s7 =	sld [smem:$0x3F9C]  }
0x1a: {  	s8 =	sadd.s32 $0xFFFFE003, lr  }
0x1b: {  	s9 =	sadd.s32 $0xFFFFFEF7, lr;
	s5 =	simm.s32 $0xFFFFFFFF;
	p2 =	slt.u32 s8, $0xFFFFF086  }
0x1c: {  	p1 =	slt.u32 s9, $0xF7A;
	s5 =	simm.s32 @!p2 $0x0  }
0x1d: {  	s5 =	simm.s32 @p1 $0x1;
	p0 =	seq.s32 s7, s2  }
0x1e: {  	s7 =	smul.u32 @!p0 $0xF7A, s2;
	p2 =	seq.s32 @!p0 s5, $0x0  }
0x1f: {  	s9 =	smul.u32 $0xF7A, s1;
	s8 =	simm.s32 @!p0 $0x1BF5;
	p2 =	por !p2, p0  }
0x20: {  	[sflag:s8] =	ssyncset.s32 @!p0 $0xFFFFF086;
	s6 =	sadd.s32 @!p0 s3, s7;
	s7 =	simm.s32 @!p0 $0x108  }
0x21: {  	s3 =	sadd.s32 s3, s9;
	s6 =	sadd.s32 @!p0 $0x88, s6;
	s7 =	simm.s32 @p2 $0x1082  }
0x22: {  	[simem:s7], [sflag:s8] =	dma.local @!p0 [hbm:s6], $0xF7A  }
0x23: {  	s9 =	sor.u32 $0xD0000000, s2;
	s6 =	simm.s32 $0x108;
	_ =	swait.ge @!p0 [sflag:s8], $0x0  }
0x24: {  	s3 =	sadd.s32 $0x88, s3;
	s6 =	simm.s32 @!p1 $0x1082;
	[sflag:s4] =	ssyncset.s32 $0xFFFFF086  }
0x25: {  	[simem:s6], [sflag:s4] =	dma.local [hbm:s3], $0xF7A  }
0x26: {  	[smem:$0x3F9C] =	sst s1;
	(tag) =	ssettag s2;
	_ =	strace s9  }
0x27: {  	s1 =	sld [smem:$0x3FAC]  }
0x28: {  	s2 =	sld [smem:$0x3FAD]  }
0x29: {  	s4 =	sld [smem:$0x3FAF]  }
0x2a: {  	p0 =	seq.s32 s5, $0x0;
	s5 =	sld [smem:$0x3FB0]  }
0x2b: {  	s6 =	sld [smem:$0x3FB1]  }
0x2c: {  	s7 =	sld [smem:$0x3FB2]  }
0x2d: {  	s3 =	simm.s32 $0x108;
	s8 =	sld [smem:$0x3FB3]  }
0x2e: {  	s3 =	simm.s32 @!p0 $0x1082;
	s9 =	sld [smem:$0x3FB4]  }
0x2f: {  	lr =	sadd.s32 s0, s3;
	s0 =	sld [smem:$0x3FAB]  }
0x30: {  	s3 =	sld [smem:$0x3FAE]  }
0x31: {  	[smem:$0x3FB7] =	sst s10  }
0x32: {  	s10 =	sld [smem:$0x3FB5];
	_ =	sdelay $0x3  }
0x33: {  	p0 =	seq.s32 s10, $0x1;
	s10 =	sld [smem:$0x3FB7];
	_ =	sdelay $0x3  }
0x34: {  	[smem:$0x3FB7] =	sst s10  }
0x35: {  	s10 =	sld [smem:$0x3FB6];
	_ =	sdelay $0x3  }
0x36: {  	p1 =	seq.s32 s10, $0x1;
	s10 =	sld [smem:$0x3FB7];
	_ =	sdelay $0x3  }
0x37: {  	[smem:$0x3FB7] =	sst s10  }
0x38: {  	s10 =	sld [smem:$0x3FB8]  }
0x39: {  	_ = 	snop;
	(pc) =	sbr.ind lr, $3  }
0x3a: {  	_ = 	snop  }
0x3b: {  	_ = 	snop  }
0x3c: {  	p2 =	seq.s32 s10, $0x1;
	s10 =	sld [smem:$0x3FB7]  }
0x3d: {  	_ =	shalt  }
0x3e: {  	_ =	shalt  }
0x3f: {  	_ =	shalt  }
0x40: {  	_ =	shalt  }
0x41: {  	_ =	shalt  }
0x42: {  	_ =	shalt  }
0x43: {  	_ =	shalt  }
0x44: {  	_ =	shalt  }
0x45: {  	_ =	shalt  }
0x46: {  	_ =	shalt  }
0x47: {  	_ =	shalt  }
0x48: {  	_ =	shalt  }
0x49: {  	_ =	shalt  }
0x4a: {  	_ =	shalt  }
0x4b: {  	_ =	shalt  }
0x4c: {  	_ =	shalt  }
0x4d: {  	_ =	shalt  }
0x4e: {  	_ =	shalt  }
0x4f: {  	_ =	shalt  }
0x50: {  	_ =	shalt  }
0x51: {  	_ =	shalt  }
0x52: {  	_ =	shalt  }
0x53: {  	_ =	shalt  }
0x54: {  	_ =	shalt  }
0x55: {  	_ =	shalt  }
0x56: {  	_ =	shalt  }
0x57: {  	_ =	shalt  }
0x58: {  	_ =	shalt  }
0x59: {  	_ =	shalt  }
0x5a: {  	_ =	shalt  }
0x5b: {  	_ =	shalt  }
0x5c: {  	_ =	shalt  }
0x5d: {  	_ =	shalt  }
0x5e: {  	_ =	shalt  }
0x5f: {  	_ =	shalt  }
0x60: {  	_ =	shalt  }
0x61: {  	_ =	shalt  }
0x62: {  	_ =	shalt  }
0x63: {  	_ =	shalt  }
0x64: {  	_ =	shalt  }
0x65: {  	_ =	shalt  }
0x66: {  	_ =	shalt  }
0x67: {  	_ =	shalt  }
0x68: {  	_ =	shalt  }
0x69: {  	_ =	shalt  }
0x6a: {  	_ =	shalt  }
0x6b: {  	_ =	shalt  }
0x6c: {  	_ =	shalt  }
0x6d: {  	_ =	shalt  }
0x6e: {  	_ =	shalt  }
0x6f: {  	_ =	shalt  }
0x70: {  	_ =	shalt  }
0x71: {  	_ =	shalt  }
0x72: {  	_ =	shalt  }
0x73: {  	_ =	shalt  }
0x74: {  	_ =	shalt  }
0x75: {  	_ =	shalt  }
0x76: {  	_ =	shalt  }
0x77: {  	_ =	shalt  }
0x78: {  	_ =	shalt  }
0x79: {  	_ =	shalt  }
0x7a: {  	_ =	shalt  }
0x7b: {  	_ =	shalt  }
0x7c: {  	_ =	shalt  }
0x7d: {  	_ =	shalt  }
0x7e: {  	_ =	shalt  }
0x7f: {  	_ =	shalt  }
0x80: {  	_ =	shalt  }
0x81: {  	_ =	shalt  }
0x82: {  	_ =	shalt  }
0x83: {  	_ =	shalt  }
0x84: {  	_ =	shalt  }
0x85: {  	_ =	shalt  }
0x86: {  	_ =	shalt  }
0x87: {  	_ =	shalt  }
.Lfunc_end0:
.L_simem_size_0:
called_computation_lowered:
.L_overlay_start_0:
0x88: {  	s2 =	sld [smem:$0x3FD9]  }
0x89: {  	s3 =	sld [smem:$0x3FFE];
	_ =	sdelay $0x1  }
0x8a: {  	s1 =	srdreg.scid  }
0x8b: {  	s0 =	sand.u32 $0x1, s1  }
0x8c: {  	s17 =	sshll.u32 s0, $0xA;
	s2 =	sadd.s32 s3, s2  }
0x8d: {  	s2 =	sadd.s32 s2, s17  }
0x8e: {  	[smem:$0x3FC3] =	sst s2  }
0x8f: {  	_ = 	snop  }
0x90: {  	s2 =	sld [smem:$0x3FD0];
	(tm) =	ssettm $0x1  }
0x91: {  	s18 =	sld [smem:$0x3FFB];
	_ =	sdelay $0x3  }
0x92: {  	_ =	strace s18  }
0x93: {  	s3 =	sld [smem:$0x3FFC];
	_ =	sdelay $0x3  }
0x94: {  	_ =	strace s3  }
0x95: {  	s3 =	sld [smem:$0x3FFD];
	_ =	sdelay $0x3  }
0x96: {  	_ =	strace s3  }
0x97: {  	_ =	strace $0x8FFFFFFF  }
0x98: {  	s19 =	sld [smem:$0x3FDB];
	_ =	sdelay $0x1  }
0x99: {  	s4 =	simm.s32 $_scs_section_size  }
0x9a: {  	s5 =	simm.s32 $_size__tile_overlayer_lowered;
	s6 =	simm.s32 $_tile_overlayer_lowered  }
0x9b: {  	s22 =	simm.s32 $0x1BFF;
	s21 =	sshll.u32 s6, $0x1;
	s3 =	sadd.s32 s4, s19  }
0x9c: {  	s7 =	simm.s32 $0x0;
	s20 =	sshll.u32 s5, $0x1;
	s5 =	sadd.s32 s21, s3  }
0x9d: {  	[timem:s7], [sflag:s22] =	dma.local [hbm:s5], s20  }
0x9e: {  	_ =	swait.ge [sflag:s22], s20  }
0x9f: {  	s4 =	ssub.s32 $0x0, s20;
	[sflag:s22] =	ssyncset.done $0x0  }
0xa0: {  	[sflag:s22] =	ssyncadd.s32 s4;
	_ =	sdelay $0x1  }
0xa1: {  	s23 =	simm.s32 $0x1B8B  }
0xa2: {  	_ =	swait.ge [sflag:s23], $0x1  }
0xa3: {  	[sflag:s23] =	ssyncset.done $0x0  }
0xa4: {  	s25 =	simm.s32 $0x1B8E;
	s24 =	sld [smem:$0x3FFE];
	[sflag:s23] =	ssyncadd.s32 $0xFFFFFFFF  }
0xa5: {  	s26 =	simm.s32 $execute0_lowered;
	[smem:$0x3FD2] =	sst s25  }
0xa6: {  	s5 =	sshll.u32 s26, $0x1;
	_ =	strace $0x80000046;
	[dreg:$0x1] =	wrdreg $0xFFFFFFFF  }
0xa7: {  	s28 =	simm.s32 $_size_execute0_lowered;
	s3 =	sadd.s32 s3, s5;
	[dreg:$0x0] =	wrdreg $0x0  }
0xa8: {  	s5 =	sshll.u32 s28, $0x1;
	[dreg:$0x2] =	wrdreg s3  }
0xa9: {  	[dreg:$0x3] =	wrdreg s5  }
0xaa: {  	[dreg:$0x4] =	wrdreg $0xC0  }
0xab: {  	_ =	task [dreg:s7], $0x5FFFF  }
0xac: {  	[dreg:$0x1] =	wrdreg $0xFFFFFFFF  }
0xad: {  	[dreg:$0x0] =	wrdreg $0x60  }
0xae: {  	[dreg:$0x2] =	wrdreg s2  }
0xaf: {  	[dreg:$0x3] =	wrdreg s24  }
0xb0: {  	[dreg:$0x4] =	wrdreg $0x120000  }
0xb1: {  	[dreg:$0x5] =	wrdreg $0x9  }
0xb2: {  	_ =	task.clear_ibuf [dreg:s7], $0x6FFFF;
	_ =	strace $0x90000046  }
0xb3: {  	s29 =	simm.s32 $0x9;
	_ =	strace $0x80000048  }
0xb4: {  	_ =	swait.ge [sflag:s29], $0x1  }
0xb5: {  	[sflag:s29] =	ssyncadd.s32 $0xFFFFFFFF  }
0xb6: {  	_ =	strace $0x90000048  }
0xb7: {  	_ =	sfence  }
0xb8: {  	s30 =	sld [smem:$0x0];
	_ =	sdelay $0x2  }
0xb9: {  	s31 =	sshll.u32 s1, $0xD;
	s1 =	sshrl.u32 s1, $0x2  }
0xba: {  	s3 =	sand.u32 $0x4000, s31;
	s1 =	sadd.s32 s1, s30  }
0xbb: {  	s0 =	sor.u32 s3, s0;
	s1 =	sshll.u32 s1, $0x11  }
0xbc: {  	s0 =	sor.u32 s1, s0  }
0xbd: {  	s0 =	sadd.s32 $0x8F2B, s0  }
0xbe: {  	[sflag:s0] =	ssyncadd.remote.s32 $0x1  }
0xbf: {  	_ =	sfence.sel $0xFFFF  }
0xc0: {  	[dreg:$0x0] =	wrdreg $0xFFFFFFFF;
	(pc) =	sbr.abs _section_cstart, $3  }
0xc1: {  	[dreg:$0x1] =	wrdreg $0xFFFFFFFF  }
0xc2: {  	_ =	task.clear_ibuf [dreg:s7], $0x2FFFF;
	_ =	strace $0x9FFFFFFF  }
0xc3: {  	(tm) =	ssettm $0x7FFFFFFF  }
tec
execute0_lowered:
.L_overlay_start_1:
0x0: {  	(tag) =	ssettag $0x1  }
0x1: {  	s0 =	rddreg [dreg:$0x0]  }
0x2: {  	s4 =	rddreg [dreg:$0x1]  }
0x3: {  	s1 =	rddreg [dreg:$0x2];
	s2 =	simm.s32 $0x0;
	s3 =	srdreg.scid  }
0x4: {  	s11 =	stileid.u32;
	s12 =	simm.s32 $0x1;
	s13 =	simm.s32 $0x80  }
0x5: {  	s14 =	simm.s32 $0x2000;
	s15 =	simm.s32 $0x6000;
	s17 =	simm.s32 $0xA000  }
0x6: {  	s18 =	simm.s32 $0x2;
	s19 =	simm.s32 $0x180;
	s20 =	simm.s32 $0xE000  }
0x7: {  	s21 =	simm.s32 $0x3;
	s22 =	simm.s32 $0x6;
	s23 =	simm.s32 $0x4  }
0x8: {  	s24 =	simm.s32 $0x7;
	s28 =	simm.s32 $0x9;
	s29 =	simm.s32 $0x0  }
0x9: {  	[smem:$0x7FF] =	sst s2;
	s9 =	sand.u32 $0x1, s3;
	s3 =	sadd.s32 $0x800, s4  }
0xa: {  	s5 =	sshll.u32 s11, $0xE;
	s10 =	sadd.s32 $0x404800, s4;
	s30 =	sshll.u32 s11, $0x12  }
0xb: {  	p0 =	sne.s32 s11, $0x0;
	_ =	strace $0x80000047;
	s6 =	sshll.u32 s9, $0xD  }
0xc: {  	s25 =	ssub.s32 $0x2, s9;
	s31 =	sshll.u32 s9, $0x11;
	s5 =	sor.u32 s6, s5  }
0xd: {  	s11 =	sshrl.u32 @!p0 s1, $0x3;
	s26 =	sshrl.u32 s25, $0x1;
	s7 =	sshrl.u32 s5, $0x3  }
0xe: {  	s5 =	sshll.u32 s5, $0x4;
	s8 =	ssub.s32 s25, s26;
	s25 =	simm.s32 $0x5  }
0xf: {  	s26 =	simm.s32 $0x8;
	s4 =	sadd.s32 s0, s7;
	s5 =	sadd.s32 s10, s5  }
0x10: {  	s8 =	smax.u32 s8, $0x1;
	s0 =	sadd.s32 s30, s10;
	s6 =	sadd.s32 $0x1F000, s5  }
0x11: {  	s7 =	sadd.s32 $0x1F800, s5;
	s9 =	sadd.s32 $0x800, s5;
	s10 =	sadd.s32 s31, s0  }
.LBB2_1:
0x12: {  	[tilespmem:s2], [sflag:$0x1] =	stream.linear.gather [hbm4b:s4+s2], $0x2000, $0x38;
	[tilespmem:$0x13F48] =	vst v63  }
0x13: {  	s0 =	simm.s32 @!p0 $0x1C0A  }
0x14: {  	[spmem:s11], [sflag:s0] =	dma.local @!p0 [hbm:s3], $0x3E90  }
0x15: {  	s0 =	simm.s32 @!p0 $0xA  }
0x16: {  	_ =	swait.ge @!p0 [sflag:s0], $0x3E90  }
0x17: {  	[sflag:s0] =	ssyncset.done @!p0 $0x0  }
0x18: {  	[sflag:s0] =	ssyncadd.s32 @!p0 $0xFFFFC170  }
0x19: {  	[bflag:$0x0] =	sbarrier.arrive $0xFFFF  }
0x1a: {  	_ =	swait.ge [sflag:s12], $0x2000  }
0x1b: {  	[sflag:s12] =	ssyncset.done $0x0  }
0x1c: {  	[sflag:s12] =	ssyncadd.s32 $0xFFFFE000  }
0x1d: {  	[tilespmem:s14], [sflag:$0x2] =	stream.indirect.gather [spmem:s1], $0x80, s2, s13, $0xb8;
	[tilespmem:$0x13F48] =	vst v63  }
0x1e: {  	_ = 	snop  }
0x1f: {  	[tilespmem:s15], [sflag:$0x3] =	stream.indirect.gather [spmem:s1], $0x80, s13, s13, $0xb8;
	[tilespmem:$0x13F48] =	vst v63  }
0x20: {  	s16 =	simm.s32 $0x100  }
0x21: {  	[tilespmem:s17], [sflag:$0x4] =	stream.indirect.gather [spmem:s1], $0x80, s16, s13, $0xb8;
	[tilespmem:$0x13F48] =	vst v63  }
0x22: {  	_ =	swait.ge [sflag:s18], $0x4000  }
0x23: {  	[sflag:s18] =	ssyncset.done $0x0  }
0x24: {  	[sflag:s18] =	ssyncadd.s32 $0xFFFFC000  }
0x25: {  	[hbm4b:s5+s2] =	stream.linear.scatter [tilespmem:s14], [sflag:$0x6], $0x4000, $0x38;
	[tilespmem:$0x13F48] =	vst v63  }
0x26: {  	_ = 	snop  }
0x27: {  	[tilespmem:s20], [sflag:$0x5] =	stream.indirect.gather [spmem:s1], $0x80, s19, s13, $0xb8;
	[tilespmem:$0x13F48] =	vst v63  }
0x28: {  	_ =	swait.ge [sflag:s21], $0x4000  }
0x29: {  	[sflag:s21] =	ssyncset.done $0x0  }
0x2a: {  	[sflag:s21] =	ssyncadd.s32 $0xFFFFC000  }
0x2b: {  	[hbm4b:s9+s2] =	stream.linear.scatter [tilespmem:s15], [sflag:$0x7], $0x4000, $0x38;
	[tilespmem:$0x13F48] =	vst v63  }
0x2c: {  	_ =	swait.ge [sflag:s22], $0x4000  }
0x2d: {  	[sflag:s22] =	ssyncset.done $0x0  }
0x2e: {  	s16 =	simm.s32 $0x200;
	[sflag:s22] =	ssyncadd.s32 $0xFFFFC000  }
0x2f: {  	[tilespmem:s14], [sflag:$0x2] =	stream.indirect.gather [spmem:s1], $0x80, s16, s13, $0xb8;
	[tilespmem:$0x13F48] =	vst v63  }
0x30: {  	_ =	swait.ge [sflag:s23], $0x4000  }
0x31: {  	s16 =	sadd.s32 $0x0, s10;
	[sflag:s23] =	ssyncset.done $0x0  }
0x32: {  	s30 =	sadd.s32 $0x1000, s16;
	[sflag:s23] =	ssyncadd.s32 $0xFFFFC000  }
0x33: {  	[hbm4b:s30+s2] =	stream.linear.scatter [tilespmem:s17], [sflag:$0x8], $0x4000, $0x38;
	[tilespmem:$0x13F48] =	vst v63  }
0x34: {  	_ =	swait.ge [sflag:s24], $0x4000  }
0x35: {  	[sflag:s24] =	ssyncset.done $0x0  }
0x36: {  	s30 =	simm.s32 $0x280;
	[sflag:s24] =	ssyncadd.s32 $0xFFFFC000  }
0x37: {  	[tilespmem:s15], [sflag:$0x3] =	stream.indirect.gather [spmem:s1], $0x80, s30, s13, $0xb8;
	[tilespmem:$0x13F48] =	vst v63  }
0x38: {  	_ =	swait.ge [sflag:s25], $0x4000  }
0x39: {  	[sflag:s25] =	ssyncset.done $0x0  }
0x3a: {  	s30 =	sadd.s32 $0x1800, s16;
	[sflag:s25] =	ssyncadd.s32 $0xFFFFC000  }
0x3b: {  	[hbm4b:s30+s2] =	stream.linear.scatter [tilespmem:s20], [sflag:$0x9], $0x4000, $0x38;
	[tilespmem:$0x13F48] =	vst v63  }
0x3c: {  	_ =	swait.ge [sflag:s26], $0x4000  }
0x3d: {  	[sflag:s26] =	ssyncset.done $0x0  }
0x3e: {  	s30 =	simm.s32 $0x300;
	[sflag:s26] =	ssyncadd.s32 $0xFFFFC000  }
0x3f: {  	[tilespmem:s17], [sflag:$0x4] =	stream.indirect.gather [spmem:s1], $0x80, s30, s13, $0xb8;
	[tilespmem:$0x13F48] =	vst v63  }
0x40: {  	_ =	swait.ge [sflag:s18], $0x4000  }
0x41: {  	[sflag:s18] =	ssyncset.done $0x0  }
0x42: {  	s30 =	sadd.s32 $0x2000, s16;
	[sflag:s18] =	ssyncadd.s32 $0xFFFFC000  }
0x43: {  	[hbm4b:s30+s2] =	stream.linear.scatter [tilespmem:s14], [sflag:$0x6], $0x4000, $0x38;
	[tilespmem:$0x13F48] =	vst v63  }
0x44: {  	_ =	swait.ge [sflag:s28], $0x4000  }
0x45: {  	[sflag:s28] =	ssyncset.done $0x0  }
0x46: {  	s30 =	simm.s32 $0x380;
	[sflag:s28] =	ssyncadd.s32 $0xFFFFC000  }
0x47: {  	[tilespmem:s20], [sflag:$0x5] =	stream.indirect.gather [spmem:s1], $0x80, s30, s13, $0xb8;
	[tilespmem:$0x13F48] =	vst v63  }
0x48: {  	_ =	swait.ge [sflag:s21], $0x4000  }
0x49: {  	s31 =	simm.s32 $0x400;
	[sflag:s21] =	ssyncset.done $0x0  }
0x4a: {  	s0 =	sadd.s32 $0x2800, s16;
	s30 =	simm.s32 $0x2000;
	[sflag:s21] =	ssyncadd.s32 $0xFFFFC000  }
.LBB2_2:
0x4b: {  	[hbm4b:s0+s2] =	stream.linear.scatter [tilespmem:s15], [sflag:$0x7], $0x4000, $0x38;
	[tilespmem:$0x13F48] =	vst v63  }
0x4c: {  	s0 =	smov.u32 s30  }
0x4d: {  	p1 =	sne.s32 s30, $0x1C000;
	s30 =	sadd.s32 $0x2000, s30;
	_ =	swait.ge [sflag:s22], $0x4000  }
0x4e: {  	[sflag:s22] =	ssyncset.done $0x0  }
0x4f: {  	[sflag:s22] =	ssyncadd.s32 $0xFFFFC000  }
0x50: {  	[tilespmem:s14], [sflag:$0x2] =	stream.indirect.gather [spmem:s1], $0x80, s31, s13, $0xb8;
	[tilespmem:$0x13F48] =	vst v63  }
0x51: {  	_ =	swait.ge [sflag:s23], $0x4000  }
0x52: {  	s0 =	sadd.s32 s0, s10;
	[sflag:s23] =	ssyncset.done $0x0  }
0x53: {  	s16 =	sadd.s32 $0x1000, s0;
	[sflag:s23] =	ssyncadd.s32 $0xFFFFC000  }
0x54: {  	[hbm4b:s16+s2] =	stream.linear.scatter [tilespmem:s17], [sflag:$0x8], $0x4000, $0x38;
	[tilespmem:$0x13F48] =	vst v63  }
0x55: {  	_ =	swait.ge [sflag:s24], $0x4000  }
0x56: {  	[sflag:s24] =	ssyncset.done $0x0  }
0x57: {  	s16 =	sadd.s32 $0x80, s31;
	[sflag:s24] =	ssyncadd.s32 $0xFFFFC000  }
0x58: {  	[tilespmem:s15], [sflag:$0x3] =	stream.indirect.gather [spmem:s1], $0x80, s16, s13, $0xb8;
	[tilespmem:$0x13F48] =	vst v63  }
0x59: {  	_ =	swait.ge [sflag:s25], $0x4000  }
0x5a: {  	[sflag:s25] =	ssyncset.done $0x0  }
0x5b: {  	s16 =	sadd.s32 $0x1800, s0;
	[sflag:s25] =	ssyncadd.s32 $0xFFFFC000  }
0x5c: {  	[hbm4b:s16+s2] =	stream.linear.scatter [tilespmem:s20], [sflag:$0x9], $0x4000, $0x38;
	[tilespmem:$0x13F48] =	vst v63  }
0x5d: {  	_ =	swait.ge [sflag:s26], $0x4000  }
0x5e: {  	[sflag:s26] =	ssyncset.done $0x0  }
0x5f: {  	s16 =	sadd.s32 $0x100, s31;
	[sflag:s26] =	ssyncadd.s32 $0xFFFFC000  }
0x60: {  	[tilespmem:s17], [sflag:$0x4] =	stream.indirect.gather [spmem:s1], $0x80, s16, s13, $0xb8;
	[tilespmem:$0x13F48] =	vst v63  }
0x61: {  	_ =	swait.ge [sflag:s18], $0x4000  }
0x62: {  	[sflag:s18] =	ssyncset.done $0x0  }
0x63: {  	s16 =	sadd.s32 $0x2000, s0;
	[sflag:s18] =	ssyncadd.s32 $0xFFFFC000  }
0x64: {  	[hbm4b:s16+s2] =	stream.linear.scatter [tilespmem:s14], [sflag:$0x6], $0x4000, $0x38;
	[tilespmem:$0x13F48] =	vst v63  }
0x65: {  	_ =	swait.ge [sflag:s28], $0x4000  }
0x66: {  	[sflag:s28] =	ssyncset.done $0x0  }
.Ltmp0:
0x67: {  	s16 =	sadd.s32 $0x180, s31;
	[sflag:s28] =	ssyncadd.s32 $0xFFFFC000;
	(pc) =	sbr.rel @p1 .LBB2_2-.Ltmp0, $4  }
0x68: {  	[tilespmem:s20], [sflag:$0x5] =	stream.indirect.gather [spmem:s1], $0x80, s16, s13, $0xb8;
	[tilespmem:$0x13F48] =	vst v63  }
0x69: {  	_ =	swait.ge [sflag:s21], $0x4000  }
0x6a: {  	[sflag:s21] =	ssyncset.done $0x0  }
0x6b: {  	s0 =	sadd.s32 $0x2800, s0;
	s31 =	sadd.s32 $0x200, s31;
	[sflag:s21] =	ssyncadd.s32 $0xFFFFC000  }
0x6c: {  	[hbm4b:s0+s2] =	stream.linear.scatter [tilespmem:s15], [sflag:$0x7], $0x4000, $0x38;
	[tilespmem:$0x13F48] =	vst v63  }
0x6d: {  	_ =	swait.ge [sflag:s23], $0x4000  }
0x6e: {  	[sflag:s23] =	ssyncset.done $0x0  }
0x6f: {  	[sflag:s23] =	ssyncadd.s32 $0xFFFFC000  }
0x70: {  	[hbm4b:s6+s2] =	stream.linear.scatter [tilespmem:s17], [sflag:$0x8], $0x4000, $0x38;
	[tilespmem:$0x13F48] =	vst v63  }
0x71: {  	_ =	swait.ge [sflag:s25], $0x4000  }
0x72: {  	[sflag:s25] =	ssyncset.done $0x0  }
0x73: {  	[sflag:s25] =	ssyncadd.s32 $0xFFFFC000  }
0x74: {  	[hbm4b:s7+s2] =	stream.linear.scatter [tilespmem:s20], [sflag:$0x9], $0x4000, $0x38;
	[tilespmem:$0x13F48] =	vst v63  }
0x75: {  	_ =	swait.ge [sflag:s22], $0x4000  }
0x76: {  	[sflag:s22] =	ssyncset.done $0x0  }
0x77: {  	[sflag:s22] =	ssyncadd.s32 $0xFFFFC000  }
0x78: {  	_ =	swait.ge [sflag:s24], $0x4000  }
0x79: {  	[sflag:s24] =	ssyncset.done $0x0  }
0x7a: {  	s29 =	sadd.s32 $0x1, s29;
	[sflag:s24] =	ssyncadd.s32 $0xFFFFC000  }
0x7b: {  	p1 =	sne.s32 s29, s8;
	_ =	swait.ge [sflag:s26], $0x4000  }
.Ltmp1:
0x7c: {  	[sflag:s26] =	ssyncset.done $0x0;
	(pc) =	sbr.rel @p1 .LBB2_1-.Ltmp1, $4  }
0x7d: {  	[sflag:s26] =	ssyncadd.s32 $0xFFFFC000  }
0x7e: {  	_ =	swait.ge [sflag:s28], $0x4000  }
0x7f: {  	[sflag:s28] =	ssyncset.done $0x0  }
0x80: {  	[sflag:s28] =	ssyncadd.s32 $0xFFFFC000  }
0x81: {  	_ =	sfence.sel $0x180000  }
0x82: {  	[bflag:$0x0] =	sbarrier.arrive $0xFFFF  }
0x83: {  	_ =	strace $0x90000047  }
0x84: {  	[bflag:$0x2] =	sbarrier.arrive $0xFFFF  }
0x85: {  	s0 =	rddreg [dreg:$0x3]  }
0x86: {  	s0 =	sadd.s32 @!p0 $0x100000, s0  }
0x87: {  	[sflag:s0] =	ssyncadd.tile.s32 @!p0 $0x1;
	_ =	shalt  }
.Lfunc_end2:
_tile_overlayer_lowered:
.L_overlay_start_2:
0x88: {  	(tag) =	ssettag $0x2  }
0x89: {  	s0 =	rddreg [dreg:$0x0];
	s2 =	stileid.u32  }
0x8a: {  	s1 =	rddreg [dreg:$0x1];
	p0 =	sne.s32 s2, $0x0  }
0x8b: {  	s3 =	rddreg [dreg:$0x2];
	[bflag:$0x3] =	sbarrier.arrive $0xFFFF;
	s2 =	simm.s32 @!p0 $0x1C0A  }
0x8c: {  	[timem:s3], [sflag:s2] =	dma.local @!p0 [hbm:s0], s1  }
0x8d: {  	s0 =	simm.s32 @!p0 $0xA  }
0x8e: {  	_ =	swait.ge @!p0 [sflag:s0], s1  }
0x8f: {  	s1 =	ssub.s32 @!p0 $0x0, s1;
	[sflag:s0] =	ssyncset.done @!p0 $0x0  }
0x90: {  	[sflag:s0] =	ssyncadd.s32 @!p0 s1  }
0x91: {  	[bflag:$0x3] =	sbarrier.arrive $0xFFFF  }
0x92: {  	_ =	shalt  }

</sc_bundles>
